<compile_context>
chip_gen: v7x
topology: tpu7x:2x2x1
jax: 0.10.2.dev20260603
libtpu: 0.0.44.dev20260713+nightly
codegen_flags: <defaults>
</compile_context>

<pallas_src>
import functools

import jax
import jax.numpy as jnp
from jax import lax
from jax.experimental import pallas as pl
from jax.experimental.pallas import tpu as pltpu
from jax.experimental.pallas import tpu_sc as plsc

D = 64
T = 200
B = 4096
NC, NS = 2, 16
NW = NC * NS
BB = 128
NBB = B // BB
NBLK = T * NBB
BLK_PER_W = NBLK // NW

_mesh = plsc.VectorSubcoreMesh(core_axis_name="c", subcore_axis_name="s")


@functools.partial(
    pl.kernel,
    out_type=jax.ShapeDtypeStruct((T, 8, NBB, 8, BB), jnp.float32),
    mesh=_mesh,
    scratch_types=[
        [pltpu.VMEM((BB,), jnp.int32)] * 2,
        [pltpu.VMEM((BB, D), jnp.float32)] * 2,
        [pltpu.VMEM((8, 8, BB), jnp.float32)] * 2,
        pltpu.VMEM((T * D,), jnp.float32),
        [pltpu.SemaphoreType.DMA] * 2,
        [pltpu.SemaphoreType.DMA] * 2,
        [pltpu.SemaphoreType.DMA] * 2,
    ],
    compiler_params=pltpu.CompilerParams(
        use_tc_tiling_on_sc=False, needs_layout_passes=False),
)
def _embed(xt_hbm, tok_hbm, pos_hbm, out_hbm,
           idx_v, gbuf, tbuf, pos_v, isem, gsem, ssem):
    wid = lax.axis_index("s") * NC + lax.axis_index("c")
    pltpu.sync_copy(pos_hbm, pos_v)
    base = wid * BLK_PER_W
    lane = lax.broadcasted_iota(jnp.int32, (16,), 0)
    rowv = [lane + bq * 16 for bq in range(BB // 16)]

    def tb(i):
        bid = base + i
        return bid // NBB, bid % NBB

    def start_idx(i, p):
        t, bc = tb(i)
        pltpu.async_copy(
            xt_hbm.at[t, pl.ds(bc * BB, BB)], idx_v[p], isem[p])

    def start_gather(i, p):
        pltpu.make_async_copy(
            xt_hbm.at[0, pl.ds(0, BB)], idx_v[p], isem[p]).wait()
        pltpu.async_copy(tok_hbm.at[idx_v[p]], gbuf[p], gsem[p])

    def start_store(i, p):
        t, bc = tb(i)
        pltpu.async_copy(tbuf[p], out_hbm.at[t, :, bc], ssem[p])

    def drain_store(p):
        pltpu.make_async_copy(
            out_hbm.at[0, 0].at[pl.ds(0, 8)], tbuf[p], ssem[p]).wait()

    start_idx(0, 0)
    start_idx(1, 1)
    start_gather(0, 0)
    start_gather(1, 1)

    @pl.loop(0, BLK_PER_W, step=2)
    def _(i0):
        for p in range(2):
            i = i0 + p
            t, _bc = tb(i)
            pltpu.make_async_copy(
                tok_hbm.at[pl.ds(0, BB)], gbuf[p], gsem[p]).wait()
            @pl.when(i + 2 < BLK_PER_W)
            def _():
                start_idx(i + 2, p)
            @pl.when(i >= 2)
            def _():
                drain_store(p)

            @pl.loop(0, D)
            def _(kk):
                dvec = ((lane + kk) & 15) + (kk & (D - 16))
                posv = plsc.load_gather(pos_v, [dvec + t * D])
                drv = lax.shift_right_logical(dvec, 3)
                div = dvec & 7
                for bq in range(BB // 16):
                    vals = plsc.load_gather(gbuf[p], [rowv[bq], dvec])
                    plsc.store_scatter(
                        tbuf[p], [drv, div, rowv[bq]], vals + posv)

            @pl.when(i + 2 < BLK_PER_W)
            def _():
                start_gather(i + 2, p)
            start_store(i, p)

    drain_store(0)
    drain_store(1)


def kernel(x, token_table, pos_table):
    xt = x.astype(jnp.int32).T
    pos = pos_table.reshape(-1)
    o = _embed(xt, token_table, pos)
    return o.transpose(2, 4, 0, 1, 3).reshape(B, T, D)

# --- scband reference (transcript-rebuilt; emitter-appended) ---
"""Pipeline reference for scband-token-and-position-embedding-73993696576158 (READ-ONLY COPY).

The authoritative reference and input builder live on the scoring server;
editing this copy changes nothing except your own understanding.
"""

import jax, jax.numpy as jnp
import numpy as np

VOCAB_SIZE = 1000000
EMBED_DIM = 64
MAXLEN = 200
BATCH = 4096


def get_pos_encoding_matrix(max_len, d_emb):
    pos_enc = np.array([[pos / np.power(10000, 2 * (j // 2) / d_emb) for j in range(d_emb)] if pos != 0 else np.zeros(d_emb) for pos in range(max_len)])
    pos_enc[1:, 0::2] = np.sin(pos_enc[1:, 0::2])
    pos_enc[1:, 1::2] = np.cos(pos_enc[1:, 1::2])
    return pos_enc


def setup_inputs(seed: int = 0) -> dict:
    key = jax.random.key(seed)
    k1, k2 = jax.random.split(key)
    x = jax.random.randint(k1, (BATCH, MAXLEN), 0, VOCAB_SIZE, dtype=jnp.int32).astype(jnp.int64)
    token_table = jax.random.normal(k2, (VOCAB_SIZE, EMBED_DIM), dtype=jnp.float32) * 0.02
    pos_table = jnp.asarray(get_pos_encoding_matrix(MAXLEN, EMBED_DIM), dtype=jnp.float32)
    return {"x": x, "token_table": token_table, "pos_table": pos_table}


def reference(x, token_table, pos_table):
    # maxlen = tf.shape(x)[-1]; positions = tf.range(0, maxlen)
    maxlen = x.shape[-1]
    positions = jnp.arange(0, maxlen)
    # pos_emb(positions): gather from positional embedding table
    pos = jnp.take(pos_table, positions, axis=0)  # [maxlen, d]
    # token_emb(x): gather from token embedding table
    tok = jnp.take(token_table, x, axis=0)  # [B, maxlen, d]
    return tok + pos[None, :, :]

if __name__ == "__main__":
    import jax
    _d = setup_inputs()
    print(jax.jit(kernel)(*tuple(_d.values())))

</pallas_src>

<mosaic_0001>
#map = affine_map<(d0, d1) -> (0, 0)>
#map1 = affine_map<(d0, d1) -> (0)>
#map2 = affine_map<(d0, d1) -> (0, 0, 0, 0, 0)>
module attributes {stable_mosaic.version = 14 : i64} {
  func.func @_embed(%arg0: i32, %arg1: i32, %arg2: memref<200x4096xi32, #tpu.memory_space<hbm>>, %arg3: memref<1000000x64xf32, #tpu.memory_space<hbm>>, %arg4: memref<12800xf32, #tpu.memory_space<hbm>>, %arg5: memref<200x8x32x8x128xf32, #tpu.memory_space<hbm>>, %arg6: memref<128xi32, #tpu.memory_space<vmem>>, %arg7: memref<128xi32, #tpu.memory_space<vmem>>, %arg8: memref<128x64xf32, #tpu.memory_space<vmem>>, %arg9: memref<128x64xf32, #tpu.memory_space<vmem>>, %arg10: memref<8x8x128xf32, #tpu.memory_space<vmem>>, %arg11: memref<8x8x128xf32, #tpu.memory_space<vmem>>, %arg12: memref<12800xf32, #tpu.memory_space<vmem>>, %arg13: memref<!tpu.dma_semaphore, #tpu.memory_space<semaphore_mem>>, %arg14: memref<!tpu.dma_semaphore, #tpu.memory_space<semaphore_mem>>, %arg15: memref<!tpu.dma_semaphore, #tpu.memory_space<semaphore_mem>>, %arg16: memref<!tpu.dma_semaphore, #tpu.memory_space<semaphore_mem>>, %arg17: memref<!tpu.dma_semaphore, #tpu.memory_space<semaphore_mem>>, %arg18: memref<!tpu.dma_semaphore, #tpu.memory_space<semaphore_mem>>) attributes {dimension_semantics = [#tpu.dimension_semantics<core_parallel>, #tpu.dimension_semantics<subcore_parallel>], iteration_bounds = array<i64: 2, 16>, scalar_prefetch = 0 : i64, scratch_operands = 13 : i64, tpu.core_type = #tpu.core_type<sc_vector_subcore>, window_params = [{transform_indices = #map}, {transform_indices = #map}, {transform_indices = #map1}, {transform_indices = #map2}]} {
    %mul3A = arith.constant 2 : i32
    %mul3A_0 = arith.muli %arg1, %mul3A : i32
    %add3A = arith.addi %mul3A_0, %arg0 : i32
    "tpu.region"() ({
      %run_scoped3A = tpu.sem_alloc : memref<!tpu.dma_semaphore, #tpu.memory_space<semaphore_mem>>
      tpu.enqueue_dma source(%arg4 : memref<12800xf32, #tpu.memory_space<hbm>>) target(%arg12 : memref<12800xf32, #tpu.memory_space<vmem>>) target_semaphore(%run_scoped3A : memref<!tpu.dma_semaphore, #tpu.memory_space<semaphore_mem>>)
      tpu.wait_dma2 semaphore(%run_scoped3A : memref<!tpu.dma_semaphore, #tpu.memory_space<semaphore_mem>>) src(%arg4 : memref<12800xf32, #tpu.memory_space<hbm>>) dst(%arg12 : memref<12800xf32, #tpu.memory_space<vmem>>)
      tpu.yield
    }) : () -> ()
    %mul3A_1 = arith.constant 200 : i32
    %mul3A_2 = arith.muli %add3A, %mul3A_1 : i32
    %iota3A = tpu.iota {dimensions = array<i32: 0>} : vector<16xi32>
    %add3A_3 = arith.constant 0 : i32
    %add3A_4 = vector.broadcast %add3A_3 : i32 to vector<16xi32>
    %add3A_5 = arith.addi %iota3A, %add3A_4 : vector<16xi32>
    %add3A_6 = arith.constant 16 : i32
    %add3A_7 = vector.broadcast %add3A_6 : i32 to vector<16xi32>
    %add3A_8 = arith.addi %iota3A, %add3A_7 : vector<16xi32>
    %add3A_9 = arith.constant 32 : i32
    %add3A_10 = vector.broadcast %add3A_9 : i32 to vector<16xi32>
    %add3A_11 = arith.addi %iota3A, %add3A_10 : vector<16xi32>
    %add3A_12 = arith.constant 48 : i32
    %add3A_13 = vector.broadcast %add3A_12 : i32 to vector<16xi32>
    %add3A_14 = arith.addi %iota3A, %add3A_13 : vector<16xi32>
    %add3A_15 = arith.constant 64 : i32
    %add3A_16 = vector.broadcast %add3A_15 : i32 to vector<16xi32>
    %add3A_17 = arith.addi %iota3A, %add3A_16 : vector<16xi32>
    %add3A_18 = arith.constant 80 : i32
    %add3A_19 = vector.broadcast %add3A_18 : i32 to vector<16xi32>
    %add3A_20 = arith.addi %iota3A, %add3A_19 : vector<16xi32>
    %add3A_21 = arith.constant 96 : i32
    %add3A_22 = vector.broadcast %add3A_21 : i32 to vector<16xi32>
    %add3A_23 = arith.addi %iota3A, %add3A_22 : vector<16xi32>
    %add3A_24 = arith.constant 112 : i32
    %add3A_25 = vector.broadcast %add3A_24 : i32 to vector<16xi32>
    %add3A_26 = arith.addi %iota3A, %add3A_25 : vector<16xi32>
    %add3A_27 = arith.constant 0 : i32
    %add3A_28 = arith.addi %mul3A_2, %add3A_27 : i32
    %jit3A = arith.constant 32 : i32
    %div3A = arith.divsi %add3A_28, %jit3A : i32
    %sign3A = arith.constant 0 : i32
    %sign3A_29 = arith.cmpi sgt, %add3A_28, %sign3A : i32
    %sign3A_30 = arith.extui %sign3A_29 : i1 to i32
    %sign3A_31 = arith.constant 0 : i32
    %sign3A_32 = arith.cmpi slt, %add3A_28, %sign3A_31 : i32
    %sign3A_33 = arith.extui %sign3A_32 : i1 to i32
    %sign3A_34 = arith.subi %sign3A_30, %sign3A_33 : i32
    %sign3A_35 = arith.constant 0 : i32
    %sign3A_36 = arith.cmpi sgt, %jit3A, %sign3A_35 : i32
    %sign3A_37 = arith.extui %sign3A_36 : i1 to i32
    %sign3A_38 = arith.constant 0 : i32
    %sign3A_39 = arith.cmpi slt, %jit3A, %sign3A_38 : i32
    %sign3A_40 = arith.extui %sign3A_39 : i1 to i32
    %sign3A_41 = arith.subi %sign3A_37, %sign3A_40 : i32
    %ne3A = arith.cmpi ne, %sign3A_34, %sign3A_41 : i32
    %rem3A = arith.remsi %add3A_28, %jit3A : i32
    %ne3A_42 = arith.constant 0 : i32
    %ne3A_43 = arith.cmpi ne, %rem3A, %ne3A_42 : i32
    %and3A = arith.andi %ne3A, %ne3A_43 : i1
    %sub3A = arith.constant 1 : i32
    %sub3A_44 = arith.subi %div3A, %sub3A : i32
    %select_n3A = arith.select %and3A, %sub3A_44, %div3A : i32
    %jit3A_45 = arith.constant 32 : i32
    %eq3A = arith.constant 0 : i32
    %eq3A_46 = arith.cmpi eq, %jit3A_45, %eq3A : i32
    %jit3A_47 = arith.constant 1 : i32
    %select_n3A_48 = arith.select %eq3A_46, %jit3A_47, %jit3A_45 : i32
    %rem3A_49 = arith.remsi %add3A_28, %select_n3A_48 : i32
    %ne3A_50 = arith.constant 0 : i32
    %ne3A_51 = arith.cmpi ne, %rem3A_49, %ne3A_50 : i32
    %lt3A = arith.constant 0 : i32
    %lt3A_52 = arith.cmpi slt, %rem3A_49, %lt3A : i32
    %lt3A_53 = arith.constant 0 : i32
    %lt3A_54 = arith.cmpi slt, %select_n3A_48, %lt3A_53 : i32
    %ne3A_55 = arith.xori %lt3A_52, %lt3A_54 : i1
    %and3A_56 = arith.andi %ne3A_55, %ne3A_51 : i1
    %add3A_57 = arith.addi %rem3A_49, %select_n3A_48 : i32
    %select_n3A_58 = arith.select %and3A_56, %add3A_57, %rem3A_49 : i32
    %mul3A_59 = arith.constant 128 : i32
    %mul3A_60 = arith.muli %select_n3A_58, %mul3A_59 : i32
    %dma_start3A = tpu.memref_slice %arg2[%select_n3A, %mul3A_60] : memref<200x4096xi32, #tpu.memory_space<hbm>> -> memref<1x128xi32, #tpu.memory_space<hbm>>
    %dma_start3A_61 = tpu.memref_squeeze %dma_start3A : memref<1x128xi32, #tpu.memory_space<hbm>> -> memref<128xi32, #tpu.memory_space<hbm>>
    %dma_start3A_62 = tpu.memref_slice %arg2[%select_n3A, %mul3A_60] : memref<200x4096xi32, #tpu.memory_space<hbm>> -> memref<1x128xi32, #tpu.memory_space<hbm>>
    %dma_start3A_63 = tpu.memref_squeeze %dma_start3A_62 : memref<1x128xi32, #tpu.memory_space<hbm>> -> memref<128xi32, #tpu.memory_space<hbm>>
    tpu.enqueue_dma source(%dma_start3A_63 : memref<128xi32, #tpu.memory_space<hbm>>) target(%arg6 : memref<128xi32, #tpu.memory_space<vmem>>) target_semaphore(%arg13 : memref<!tpu.dma_semaphore, #tpu.memory_space<semaphore_mem>>)
    %add3A_64 = arith.constant 1 : i32
    %add3A_65 = arith.addi %mul3A_2, %add3A_64 : i32
    %jit3A_66 = arith.constant 32 : i32
    %div3A_67 = arith.divsi %add3A_65, %jit3A_66 : i32
    %sign3A_68 = arith.constant 0 : i32
    %sign3A_69 = arith.cmpi sgt, %add3A_65, %sign3A_68 : i32
    %sign3A_70 = arith.extui %sign3A_69 : i1 to i32
    %sign3A_71 = arith.constant 0 : i32
    %sign3A_72 = arith.cmpi slt, %add3A_65, %sign3A_71 : i32
    %sign3A_73 = arith.extui %sign3A_72 : i1 to i32
    %sign3A_74 = arith.subi %sign3A_70, %sign3A_73 : i32
    %sign3A_75 = arith.constant 0 : i32
    %sign3A_76 = arith.cmpi sgt, %jit3A_66, %sign3A_75 : i32
    %sign3A_77 = arith.extui %sign3A_76 : i1 to i32
    %sign3A_78 = arith.constant 0 : i32
    %sign3A_79 = arith.cmpi slt, %jit3A_66, %sign3A_78 : i32
    %sign3A_80 = arith.extui %sign3A_79 : i1 to i32
    %sign3A_81 = arith.subi %sign3A_77, %sign3A_80 : i32
    %ne3A_82 = arith.cmpi ne, %sign3A_74, %sign3A_81 : i32
    %rem3A_83 = arith.remsi %add3A_65, %jit3A_66 : i32
    %ne3A_84 = arith.constant 0 : i32
    %ne3A_85 = arith.cmpi ne, %rem3A_83, %ne3A_84 : i32
    %and3A_86 = arith.andi %ne3A_82, %ne3A_85 : i1
    %sub3A_87 = arith.constant 1 : i32
    %sub3A_88 = arith.subi %div3A_67, %sub3A_87 : i32
    %select_n3A_89 = arith.select %and3A_86, %sub3A_88, %div3A_67 : i32
    %jit3A_90 = arith.constant 32 : i32
    %eq3A_91 = arith.constant 0 : i32
    %eq3A_92 = arith.cmpi eq, %jit3A_90, %eq3A_91 : i32
    %jit3A_93 = arith.constant 1 : i32
    %select_n3A_94 = arith.select %eq3A_92, %jit3A_93, %jit3A_90 : i32
    %rem3A_95 = arith.remsi %add3A_65, %select_n3A_94 : i32
    %ne3A_96 = arith.constant 0 : i32
    %ne3A_97 = arith.cmpi ne, %rem3A_95, %ne3A_96 : i32
    %lt3A_98 = arith.constant 0 : i32
    %lt3A_99 = arith.cmpi slt, %rem3A_95, %lt3A_98 : i32
    %lt3A_100 = arith.constant 0 : i32
    %lt3A_101 = arith.cmpi slt, %select_n3A_94, %lt3A_100 : i32
    %ne3A_102 = arith.xori %lt3A_99, %lt3A_101 : i1
    %and3A_103 = arith.andi %ne3A_102, %ne3A_97 : i1
    %add3A_104 = arith.addi %rem3A_95, %select_n3A_94 : i32
    %select_n3A_105 = arith.select %and3A_103, %add3A_104, %rem3A_95 : i32
    %mul3A_106 = arith.constant 128 : i32
    %mul3A_107 = arith.muli %select_n3A_105, %mul3A_106 : i32
    %dma_start3A_108 = tpu.memref_slice %arg2[%select_n3A_89, %mul3A_107] : memref<200x4096xi32, #tpu.memory_space<hbm>> -> memref<1x128xi32, #tpu.memory_space<hbm>>
    %dma_start3A_109 = tpu.memref_squeeze %dma_start3A_108 : memref<1x128xi32, #tpu.memory_space<hbm>> -> memref<128xi32, #tpu.memory_space<hbm>>
    %dma_start3A_110 = tpu.memref_slice %arg2[%select_n3A_89, %mul3A_107] : memref<200x4096xi32, #tpu.memory_space<hbm>> -> memref<1x128xi32, #tpu.memory_space<hbm>>
    %dma_start3A_111 = tpu.memref_squeeze %dma_start3A_110 : memref<1x128xi32, #tpu.memory_space<hbm>> -> memref<128xi32, #tpu.memory_space<hbm>>
    tpu.enqueue_dma source(%dma_start3A_111 : memref<128xi32, #tpu.memory_space<hbm>>) target(%arg7 : memref<128xi32, #tpu.memory_space<vmem>>) target_semaphore(%arg14 : memref<!tpu.dma_semaphore, #tpu.memory_space<semaphore_mem>>)
    %dma_wait3A = arith.constant 0 : i32
    %dma_wait3A_112 = arith.constant 0 : i32
    %dma_wait3A_113 = tpu.memref_slice %arg2[%dma_wait3A, %dma_wait3A_112] : memref<200x4096xi32, #tpu.memory_space<hbm>> -> memref<1x128xi32, #tpu.memory_space<hbm>>
    %dma_wait3A_114 = tpu.memref_squeeze %dma_wait3A_113 : memref<1x128xi32, #tpu.memory_space<hbm>> -> memref<128xi32, #tpu.memory_space<hbm>>
    %dma_wait3A_115 = arith.constant 0 : i32
    %dma_wait3A_116 = tpu.memref_slice %arg2[%dma_wait3A, %dma_wait3A_115] : memref<200x4096xi32, #tpu.memory_space<hbm>> -> memref<1x128xi32, #tpu.memory_space<hbm>>
    %dma_wait3A_117 = tpu.memref_squeeze %dma_wait3A_116 : memref<1x128xi32, #tpu.memory_space<hbm>> -> memref<128xi32, #tpu.memory_space<hbm>>
    tpu.wait_dma2 semaphore(%arg13 : memref<!tpu.dma_semaphore, #tpu.memory_space<semaphore_mem>>) src(%dma_wait3A_117 : memref<128xi32, #tpu.memory_space<hbm>>) dst(%arg6 : memref<128xi32, #tpu.memory_space<vmem>>)
    %dma_start3A_118 = arith.constant 0 : i32
    %dma_start3A_119 = arith.constant 0 : i32
    %dma_start3A_120 = tpu.memref_slice %arg3[%dma_start3A_118, %dma_start3A_119] : memref<1000000x64xf32, #tpu.memory_space<hbm>> -> memref<1000000x64xf32, #tpu.memory_space<hbm>>
    tpu.enqueue_indirect_dma source(%dma_start3A_120 : memref<1000000x64xf32, #tpu.memory_space<hbm>>) target(%arg8 : memref<128x64xf32, #tpu.memory_space<vmem>>) offsets(%arg6 : memref<128xi32, #tpu.memory_space<vmem>>) semaphore(%arg15 : memref<!tpu.dma_semaphore, #tpu.memory_space<semaphore_mem>>)
    %dma_wait3A_121 = arith.constant 0 : i32
    %dma_wait3A_122 = arith.constant 0 : i32
    %dma_wait3A_123 = tpu.memref_slice %arg2[%dma_wait3A_121, %dma_wait3A_122] : memref<200x4096xi32, #tpu.memory_space<hbm>> -> memref<1x128xi32, #tpu.memory_space<hbm>>
    %dma_wait3A_124 = tpu.memref_squeeze %dma_wait3A_123 : memref<1x128xi32, #tpu.memory_space<hbm>> -> memref<128xi32, #tpu.memory_space<hbm>>
    %dma_wait3A_125 = arith.constant 0 : i32
    %dma_wait3A_126 = tpu.memref_slice %arg2[%dma_wait3A_121, %dma_wait3A_125] : memref<200x4096xi32, #tpu.memory_space<hbm>> -> memref<1x128xi32, #tpu.memory_space<hbm>>
    %dma_wait3A_127 = tpu.memref_squeeze %dma_wait3A_126 : memref<1x128xi32, #tpu.memory_space<hbm>> -> memref<128xi32, #tpu.memory_space<hbm>>
    tpu.wait_dma2 semaphore(%arg14 : memref<!tpu.dma_semaphore, #tpu.memory_space<semaphore_mem>>) src(%dma_wait3A_127 : memref<128xi32, #tpu.memory_space<hbm>>) dst(%arg7 : memref<128xi32, #tpu.memory_space<vmem>>)
    %dma_start3A_128 = arith.constant 0 : i32
    %dma_start3A_129 = arith.constant 0 : i32
    %dma_start3A_130 = tpu.memref_slice %arg3[%dma_start3A_128, %dma_start3A_129] : memref<1000000x64xf32, #tpu.memory_space<hbm>> -> memref<1000000x64xf32, #tpu.memory_space<hbm>>
    tpu.enqueue_indirect_dma source(%dma_start3A_130 : memref<1000000x64xf32, #tpu.memory_space<hbm>>) target(%arg9 : memref<128x64xf32, #tpu.memory_space<vmem>>) offsets(%arg7 : memref<128xi32, #tpu.memory_space<vmem>>) semaphore(%arg16 : memref<!tpu.dma_semaphore, #tpu.memory_space<semaphore_mem>>)
    %scan3A = arith.constant 0 : i32
    %scan3A_131 = arith.constant 100 : i32
    %scan3A_132 = arith.addi %scan3A, %scan3A_131 : i32
    %scan3A_133 = arith.constant 1 : i32
    scf.for %scan3A_175 = %scan3A to %scan3A_132 step %scan3A_133  : i32 {
      %mul3A_176 = arith.constant 2 : i32
      %mul3A_177 = arith.muli %scan3A_175, %mul3A_176 : i32
      %add3A_178 = arith.constant 0 : i32
      %add3A_179 = arith.addi %add3A_178, %mul3A_177 : i32
      %add3A_180 = arith.constant 0 : i32
      %add3A_181 = arith.addi %add3A_179, %add3A_180 : i32
      %add3A_182 = arith.addi %mul3A_2, %add3A_181 : i32
      %jit3A_183 = arith.constant 32 : i32
      %div3A_184 = arith.divsi %add3A_182, %jit3A_183 : i32
      %sign3A_185 = arith.constant 0 : i32
      %sign3A_186 = arith.cmpi sgt, %add3A_182, %sign3A_185 : i32
      %sign3A_187 = arith.extui %sign3A_186 : i1 to i32
      %sign3A_188 = arith.constant 0 : i32
      %sign3A_189 = arith.cmpi slt, %add3A_182, %sign3A_188 : i32
      %sign3A_190 = arith.extui %sign3A_189 : i1 to i32
      %sign3A_191 = arith.subi %sign3A_187, %sign3A_190 : i32
      %sign3A_192 = arith.constant 0 : i32
      %sign3A_193 = arith.cmpi sgt, %jit3A_183, %sign3A_192 : i32
      %sign3A_194 = arith.extui %sign3A_193 : i1 to i32
      %sign3A_195 = arith.constant 0 : i32
      %sign3A_196 = arith.cmpi slt, %jit3A_183, %sign3A_195 : i32
      %sign3A_197 = arith.extui %sign3A_196 : i1 to i32
      %sign3A_198 = arith.subi %sign3A_194, %sign3A_197 : i32
      %ne3A_199 = arith.cmpi ne, %sign3A_191, %sign3A_198 : i32
      %rem3A_200 = arith.remsi %add3A_182, %jit3A_183 : i32
      %ne3A_201 = arith.constant 0 : i32
      %ne3A_202 = arith.cmpi ne, %rem3A_200, %ne3A_201 : i32
      %and3A_203 = arith.andi %ne3A_199, %ne3A_202 : i1
      %sub3A_204 = arith.constant 1 : i32
      %sub3A_205 = arith.subi %div3A_184, %sub3A_204 : i32
      %select_n3A_206 = arith.select %and3A_203, %sub3A_205, %div3A_184 : i32
      %jit3A_207 = arith.constant 32 : i32
      %eq3A_208 = arith.constant 0 : i32
      %eq3A_209 = arith.cmpi eq, %jit3A_207, %eq3A_208 : i32
      %jit3A_210 = arith.constant 1 : i32
      %select_n3A_211 = arith.select %eq3A_209, %jit3A_210, %jit3A_207 : i32
      %rem3A_212 = arith.remsi %add3A_182, %select_n3A_211 : i32
      %ne3A_213 = arith.constant 0 : i32
      %ne3A_214 = arith.cmpi ne, %rem3A_212, %ne3A_213 : i32
      %lt3A_215 = arith.constant 0 : i32
      %lt3A_216 = arith.cmpi slt, %rem3A_212, %lt3A_215 : i32
      %lt3A_217 = arith.constant 0 : i32
      %lt3A_218 = arith.cmpi slt, %select_n3A_211, %lt3A_217 : i32
      %ne3A_219 = arith.xori %lt3A_216, %lt3A_218 : i1
      %and3A_220 = arith.andi %ne3A_219, %ne3A_214 : i1
      %add3A_221 = arith.addi %rem3A_212, %select_n3A_211 : i32
      %select_n3A_222 = arith.select %and3A_220, %add3A_221, %rem3A_212 : i32
      %dma_wait3A_223 = arith.constant 0 : i32
      %dma_wait3A_224 = arith.constant 0 : i32
      %dma_wait3A_225 = tpu.memref_slice %arg3[%dma_wait3A_223, %dma_wait3A_224] : memref<1000000x64xf32, #tpu.memory_space<hbm>> -> memref<128x64xf32, #tpu.memory_space<hbm>>
      %dma_wait3A_226 = arith.constant 0 : i32
      %dma_wait3A_227 = arith.constant 0 : i32
      %dma_wait3A_228 = tpu.memref_slice %arg3[%dma_wait3A_226, %dma_wait3A_227] : memref<1000000x64xf32, #tpu.memory_space<hbm>> -> memref<128x64xf32, #tpu.memory_space<hbm>>
      tpu.wait_dma2 semaphore(%arg15 : memref<!tpu.dma_semaphore, #tpu.memory_space<semaphore_mem>>) src(%dma_wait3A_228 : memref<128x64xf32, #tpu.memory_space<hbm>>) dst(%arg8 : memref<128x64xf32, #tpu.memory_space<vmem>>)
      %add3A_229 = arith.constant 2 : i32
      %add3A_230 = arith.addi %add3A_181, %add3A_229 : i32
      %lt3A_231 = arith.constant 200 : i32
      %lt3A_232 = arith.cmpi slt, %add3A_230, %lt3A_231 : i32
      %convert_element_type3A = arith.extui %lt3A_232 : i1 to i32
      %cond3A = arith.constant 0 : i32
      %cond3A_233 = arith.cmpi ne, %convert_element_type3A, %cond3A : i32
      scf.if %cond3A_233 {
        %add3A_425 = arith.constant 2 : i32
        %add3A_426 = arith.addi %add3A_181, %add3A_425 : i32
        %add3A_427 = arith.addi %mul3A_2, %add3A_426 : i32
        %jit3A_428 = arith.constant 32 : i32
        %div3A_429 = arith.divsi %add3A_427, %jit3A_428 : i32
        %sign3A_430 = arith.constant 0 : i32
        %sign3A_431 = arith.cmpi sgt, %add3A_427, %sign3A_430 : i32
        %sign3A_432 = arith.extui %sign3A_431 : i1 to i32
        %sign3A_433 = arith.constant 0 : i32
        %sign3A_434 = arith.cmpi slt, %add3A_427, %sign3A_433 : i32
        %sign3A_435 = arith.extui %sign3A_434 : i1 to i32
        %sign3A_436 = arith.subi %sign3A_432, %sign3A_435 : i32
        %sign3A_437 = arith.constant 0 : i32
        %sign3A_438 = arith.cmpi sgt, %jit3A_428, %sign3A_437 : i32
        %sign3A_439 = arith.extui %sign3A_438 : i1 to i32
        %sign3A_440 = arith.constant 0 : i32
        %sign3A_441 = arith.cmpi slt, %jit3A_428, %sign3A_440 : i32
        %sign3A_442 = arith.extui %sign3A_441 : i1 to i32
        %sign3A_443 = arith.subi %sign3A_439, %sign3A_442 : i32
        %ne3A_444 = arith.cmpi ne, %sign3A_436, %sign3A_443 : i32
        %rem3A_445 = arith.remsi %add3A_427, %jit3A_428 : i32
        %ne3A_446 = arith.constant 0 : i32
        %ne3A_447 = arith.cmpi ne, %rem3A_445, %ne3A_446 : i32
        %and3A_448 = arith.andi %ne3A_444, %ne3A_447 : i1
        %sub3A_449 = arith.constant 1 : i32
        %sub3A_450 = arith.subi %div3A_429, %sub3A_449 : i32
        %select_n3A_451 = arith.select %and3A_448, %sub3A_450, %div3A_429 : i32
        %jit3A_452 = arith.constant 32 : i32
        %eq3A_453 = arith.constant 0 : i32
        %eq3A_454 = arith.cmpi eq, %jit3A_452, %eq3A_453 : i32
        %jit3A_455 = arith.constant 1 : i32
        %select_n3A_456 = arith.select %eq3A_454, %jit3A_455, %jit3A_452 : i32
        %rem3A_457 = arith.remsi %add3A_427, %select_n3A_456 : i32
        %ne3A_458 = arith.constant 0 : i32
        %ne3A_459 = arith.cmpi ne, %rem3A_457, %ne3A_458 : i32
        %lt3A_460 = arith.constant 0 : i32
        %lt3A_461 = arith.cmpi slt, %rem3A_457, %lt3A_460 : i32
        %lt3A_462 = arith.constant 0 : i32
        %lt3A_463 = arith.cmpi slt, %select_n3A_456, %lt3A_462 : i32
        %ne3A_464 = arith.xori %lt3A_461, %lt3A_463 : i1
        %and3A_465 = arith.andi %ne3A_464, %ne3A_459 : i1
        %add3A_466 = arith.addi %rem3A_457, %select_n3A_456 : i32
        %select_n3A_467 = arith.select %and3A_465, %add3A_466, %rem3A_457 : i32
        %mul3A_468 = arith.constant 128 : i32
        %mul3A_469 = arith.muli %select_n3A_467, %mul3A_468 : i32
        %dma_start3A_470 = tpu.memref_slice %arg2[%select_n3A_451, %mul3A_469] : memref<200x4096xi32, #tpu.memory_space<hbm>> -> memref<1x128xi32, #tpu.memory_space<hbm>>
        %dma_start3A_471 = tpu.memref_squeeze %dma_start3A_470 : memref<1x128xi32, #tpu.memory_space<hbm>> -> memref<128xi32, #tpu.memory_space<hbm>>
        %dma_start3A_472 = tpu.memref_slice %arg2[%select_n3A_451, %mul3A_469] : memref<200x4096xi32, #tpu.memory_space<hbm>> -> memref<1x128xi32, #tpu.memory_space<hbm>>
        %dma_start3A_473 = tpu.memref_squeeze %dma_start3A_472 : memref<1x128xi32, #tpu.memory_space<hbm>> -> memref<128xi32, #tpu.memory_space<hbm>>
        tpu.enqueue_dma source(%dma_start3A_473 : memref<128xi32, #tpu.memory_space<hbm>>) target(%arg6 : memref<128xi32, #tpu.memory_space<vmem>>) target_semaphore(%arg13 : memref<!tpu.dma_semaphore, #tpu.memory_space<semaphore_mem>>)
      } else {
      }
      %ge3A = arith.constant 2 : i32
      %ge3A_234 = arith.cmpi sge, %add3A_181, %ge3A : i32
      %convert_element_type3A_235 = arith.extui %ge3A_234 : i1 to i32
      %cond3A_236 = arith.constant 0 : i32
      %cond3A_237 = arith.cmpi ne, %convert_element_type3A_235, %cond3A_236 : i32
      scf.if %cond3A_237 {
        %dma_wait3A_425 = arith.constant 0 : i32
        %dma_wait3A_426 = arith.constant 0 : i32
        %dma_wait3A_427 = arith.constant 0 : i32
        %dma_wait3A_428 = arith.constant 0 : i32
        %dma_wait3A_429 = arith.constant 0 : i32
        %dma_wait3A_430 = tpu.memref_slice %arg5[%dma_wait3A_425, %dma_wait3A_426, %dma_wait3A_427, %dma_wait3A_428, %dma_wait3A_429] : memref<200x8x32x8x128xf32, #tpu.memory_space<hbm>> -> memref<1x1x32x8x128xf32, #tpu.memory_space<hbm>>
        %dma_wait3A_431 = tpu.memref_squeeze %dma_wait3A_430 : memref<1x1x32x8x128xf32, #tpu.memory_space<hbm>> -> memref<32x8x128xf32, #tpu.memory_space<hbm>>
        %dma_wait3A_432 = arith.constant 0 : i32
        %dma_wait3A_433 = arith.constant 0 : i32
        %dma_wait3A_434 = arith.constant 0 : i32
        %dma_wait3A_435 = tpu.memref_slice %dma_wait3A_431[%dma_wait3A_432, %dma_wait3A_433, %dma_wait3A_434] : memref<32x8x128xf32, #tpu.memory_space<hbm>> -> memref<8x8x128xf32, #tpu.memory_space<hbm>>
        %dma_wait3A_436 = arith.constant 0 : i32
        %dma_wait3A_437 = arith.constant 0 : i32
        %dma_wait3A_438 = arith.constant 0 : i32
        %dma_wait3A_439 = tpu.memref_slice %arg5[%dma_wait3A_425, %dma_wait3A_426, %dma_wait3A_436, %dma_wait3A_437, %dma_wait3A_438] : memref<200x8x32x8x128xf32, #tpu.memory_space<hbm>> -> memref<1x1x32x8x128xf32, #tpu.memory_space<hbm>>
        %dma_wait3A_440 = tpu.memref_squeeze %dma_wait3A_439 : memref<1x1x32x8x128xf32, #tpu.memory_space<hbm>> -> memref<32x8x128xf32, #tpu.memory_space<hbm>>
        %dma_wait3A_441 = arith.constant 0 : i32
        %dma_wait3A_442 = arith.constant 0 : i32
        %dma_wait3A_443 = arith.constant 0 : i32
        %dma_wait3A_444 = tpu.memref_slice %dma_wait3A_440[%dma_wait3A_441, %dma_wait3A_442, %dma_wait3A_443] : memref<32x8x128xf32, #tpu.memory_space<hbm>> -> memref<8x8x128xf32, #tpu.memory_space<hbm>>
        tpu.wait_dma2 semaphore(%arg17 : memref<!tpu.dma_semaphore, #tpu.memory_space<semaphore_mem>>) src(%dma_wait3A_444 : memref<8x8x128xf32, #tpu.memory_space<hbm>>) dst(%arg10 : memref<8x8x128xf32, #tpu.memory_space<vmem>>)
      } else {
      }
      %scan3A_238 = arith.constant 0 : i32
      %scan3A_239 = arith.constant 64 : i32
      %scan3A_240 = arith.addi %scan3A_238, %scan3A_239 : i32
      %scan3A_241 = arith.constant 1 : i32
      scf.for %scan3A_425 = %scan3A_238 to %scan3A_240 step %scan3A_241  : i32 {
        %mul3A_426 = arith.constant 1 : i32
        %mul3A_427 = arith.muli %scan3A_425, %mul3A_426 : i32
        %add3A_428 = arith.constant 0 : i32
        %add3A_429 = arith.addi %add3A_428, %mul3A_427 : i32
        %add3A_430 = vector.broadcast %add3A_429 : i32 to vector<16xi32>
        %add3A_431 = arith.addi %iota3A, %add3A_430 : vector<16xi32>
        %and3A_432 = arith.constant 15 : i32
        %and3A_433 = vector.broadcast %and3A_432 : i32 to vector<16xi32>
        %and3A_434 = arith.andi %add3A_431, %and3A_433 : vector<16xi32>
        %and3A_435 = arith.constant 48 : i32
        %and3A_436 = arith.andi %add3A_429, %and3A_435 : i32
        %add3A_437 = vector.broadcast %and3A_436 : i32 to vector<16xi32>
        %add3A_438 = arith.addi %and3A_434, %add3A_437 : vector<16xi32>
        %mul3A_439 = arith.constant 64 : i32
        %mul3A_440 = arith.muli %select_n3A_206, %mul3A_439 : i32
        %add3A_441 = vector.broadcast %mul3A_440 : i32 to vector<16xi32>
        %add3A_442 = arith.addi %add3A_438, %add3A_441 : vector<16xi32>
        %gather3A = tpu.vector_load_idx %arg12[%add3A_442] : memref<12800xf32, #tpu.memory_space<vmem>>[vector<16xi32>], vector<16xf32>,
        %shift_right_logical3A = arith.constant 3 : i32
        %shift_right_logical3A_443 = vector.broadcast %shift_right_logical3A : i32 to vector<16xi32>
        %shift_right_logical3A_444 = arith.shrui %add3A_438, %shift_right_logical3A_443 : vector<16xi32>
        %and3A_445 = arith.constant 7 : i32
        %and3A_446 = vector.broadcast %and3A_445 : i32 to vector<16xi32>
        %and3A_447 = arith.andi %add3A_438, %and3A_446 : vector<16xi32>
        %gather3A_448 = tpu.vector_load_idx %arg8[%add3A_5, %add3A_438] : memref<128x64xf32, #tpu.memory_space<vmem>>[vector<16xi32>, vector<16xi32>], vector<16xf32>,
        %add3A_449 = arith.addf %gather3A_448, %gather3A : vector<16xf32>
        tpu.vector_store_idx %arg10[%shift_right_logical3A_444, %and3A_447, %add3A_5], %add3A_449 : memref<8x8x128xf32, #tpu.memory_space<vmem>>[vector<16xi32>, vector<16xi32>, vector<16xi32>], vector<16xf32>,
        %gather3A_450 = tpu.vector_load_idx %arg8[%add3A_8, %add3A_438] : memref<128x64xf32, #tpu.memory_space<vmem>>[vector<16xi32>, vector<16xi32>], vector<16xf32>,
        %add3A_451 = arith.addf %gather3A_450, %gather3A : vector<16xf32>
        tpu.vector_store_idx %arg10[%shift_right_logical3A_444, %and3A_447, %add3A_8], %add3A_451 : memref<8x8x128xf32, #tpu.memory_space<vmem>>[vector<16xi32>, vector<16xi32>, vector<16xi32>], vector<16xf32>,
        %gather3A_452 = tpu.vector_load_idx %arg8[%add3A_11, %add3A_438] : memref<128x64xf32, #tpu.memory_space<vmem>>[vector<16xi32>, vector<16xi32>], vector<16xf32>,
        %add3A_453 = arith.addf %gather3A_452, %gather3A : vector<16xf32>
        tpu.vector_store_idx %arg10[%shift_right_logical3A_444, %and3A_447, %add3A_11], %add3A_453 : memref<8x8x128xf32, #tpu.memory_space<vmem>>[vector<16xi32>, vector<16xi32>, vector<16xi32>], vector<16xf32>,
        %gather3A_454 = tpu.vector_load_idx %arg8[%add3A_14, %add3A_438] : memref<128x64xf32, #tpu.memory_space<vmem>>[vector<16xi32>, vector<16xi32>], vector<16xf32>,
        %add3A_455 = arith.addf %gather3A_454, %gather3A : vector<16xf32>
        tpu.vector_store_idx %arg10[%shift_right_logical3A_444, %and3A_447, %add3A_14], %add3A_455 : memref<8x8x128xf32, #tpu.memory_space<vmem>>[vector<16xi32>, vector<16xi32>, vector<16xi32>], vector<16xf32>,
        %gather3A_456 = tpu.vector_load_idx %arg8[%add3A_17, %add3A_438] : memref<128x64xf32, #tpu.memory_space<vmem>>[vector<16xi32>, vector<16xi32>], vector<16xf32>,
        %add3A_457 = arith.addf %gather3A_456, %gather3A : vector<16xf32>
        tpu.vector_store_idx %arg10[%shift_right_logical3A_444, %and3A_447, %add3A_17], %add3A_457 : memref<8x8x128xf32, #tpu.memory_space<vmem>>[vector<16xi32>, vector<16xi32>, vector<16xi32>], vector<16xf32>,
        %gather3A_458 = tpu.vector_load_idx %arg8[%add3A_20, %add3A_438] : memref<128x64xf32, #tpu.memory_space<vmem>>[vector<16xi32>, vector<16xi32>], vector<16xf32>,
        %add3A_459 = arith.addf %gather3A_458, %gather3A : vector<16xf32>
        tpu.vector_store_idx %arg10[%shift_right_logical3A_444, %and3A_447, %add3A_20], %add3A_459 : memref<8x8x128xf32, #tpu.memory_space<vmem>>[vector<16xi32>, vector<16xi32>, vector<16xi32>], vector<16xf32>,
        %gather3A_460 = tpu.vector_load_idx %arg8[%add3A_23, %add3A_438] : memref<128x64xf32, #tpu.memory_space<vmem>>[vector<16xi32>, vector<16xi32>], vector<16xf32>,
        %add3A_461 = arith.addf %gather3A_460, %gather3A : vector<16xf32>
        tpu.vector_store_idx %arg10[%shift_right_logical3A_444, %and3A_447, %add3A_23], %add3A_461 : memref<8x8x128xf32, #tpu.memory_space<vmem>>[vector<16xi32>, vector<16xi32>, vector<16xi32>], vector<16xf32>,
        %gather3A_462 = tpu.vector_load_idx %arg8[%add3A_26, %add3A_438] : memref<128x64xf32, #tpu.memory_space<vmem>>[vector<16xi32>, vector<16xi32>], vector<16xf32>,
        %add3A_463 = arith.addf %gather3A_462, %gather3A : vector<16xf32>
        tpu.vector_store_idx %arg10[%shift_right_logical3A_444, %and3A_447, %add3A_26], %add3A_463 : memref<8x8x128xf32, #tpu.memory_space<vmem>>[vector<16xi32>, vector<16xi32>, vector<16xi32>], vector<16xf32>,
      }
      %scan3A_242 = arith.constant 64 : i32
      %add3A_243 = arith.constant 2 : i32
      %add3A_244 = arith.addi %add3A_181, %add3A_243 : i32
      %lt3A_245 = arith.constant 200 : i32
      %lt3A_246 = arith.cmpi slt, %add3A_244, %lt3A_245 : i32
      %convert_element_type3A_247 = arith.extui %lt3A_246 : i1 to i32
      %cond3A_248 = arith.constant 0 : i32
      %cond3A_249 = arith.cmpi ne, %convert_element_type3A_247, %cond3A_248 : i32
      scf.if %cond3A_249 {
        %add3A_425 = arith.constant 2 : i32
        %add3A_426 = arith.addi %add3A_181, %add3A_425 : i32
        %dma_wait3A_427 = arith.constant 0 : i32
        %dma_wait3A_428 = arith.constant 0 : i32
        %dma_wait3A_429 = tpu.memref_slice %arg2[%dma_wait3A_427, %dma_wait3A_428] : memref<200x4096xi32, #tpu.memory_space<hbm>> -> memref<1x128xi32, #tpu.memory_space<hbm>>
        %dma_wait3A_430 = tpu.memref_squeeze %dma_wait3A_429 : memref<1x128xi32, #tpu.memory_space<hbm>> -> memref<128xi32, #tpu.memory_space<hbm>>
        %dma_wait3A_431 = arith.constant 0 : i32
        %dma_wait3A_432 = tpu.memref_slice %arg2[%dma_wait3A_427, %dma_wait3A_431] : memref<200x4096xi32, #tpu.memory_space<hbm>> -> memref<1x128xi32, #tpu.memory_space<hbm>>
        %dma_wait3A_433 = tpu.memref_squeeze %dma_wait3A_432 : memref<1x128xi32, #tpu.memory_space<hbm>> -> memref<128xi32, #tpu.memory_space<hbm>>
        tpu.wait_dma2 semaphore(%arg13 : memref<!tpu.dma_semaphore, #tpu.memory_space<semaphore_mem>>) src(%dma_wait3A_433 : memref<128xi32, #tpu.memory_space<hbm>>) dst(%arg6 : memref<128xi32, #tpu.memory_space<vmem>>)
        %dma_start3A_434 = arith.constant 0 : i32
        %dma_start3A_435 = arith.constant 0 : i32
        %dma_start3A_436 = tpu.memref_slice %arg3[%dma_start3A_434, %dma_start3A_435] : memref<1000000x64xf32, #tpu.memory_space<hbm>> -> memref<1000000x64xf32, #tpu.memory_space<hbm>>
        tpu.enqueue_indirect_dma source(%dma_start3A_436 : memref<1000000x64xf32, #tpu.memory_space<hbm>>) target(%arg8 : memref<128x64xf32, #tpu.memory_space<vmem>>) offsets(%arg6 : memref<128xi32, #tpu.memory_space<vmem>>) semaphore(%arg15 : memref<!tpu.dma_semaphore, #tpu.memory_space<semaphore_mem>>)
      } else {
      }
      %add3A_250 = arith.addi %mul3A_2, %add3A_181 : i32
      %jit3A_251 = arith.constant 32 : i32
      %div3A_252 = arith.divsi %add3A_250, %jit3A_251 : i32
      %sign3A_253 = arith.constant 0 : i32
      %sign3A_254 = arith.cmpi sgt, %add3A_250, %sign3A_253 : i32
      %sign3A_255 = arith.extui %sign3A_254 : i1 to i32
      %sign3A_256 = arith.constant 0 : i32
      %sign3A_257 = arith.cmpi slt, %add3A_250, %sign3A_256 : i32
      %sign3A_258 = arith.extui %sign3A_257 : i1 to i32
      %sign3A_259 = arith.subi %sign3A_255, %sign3A_258 : i32
      %sign3A_260 = arith.constant 0 : i32
      %sign3A_261 = arith.cmpi sgt, %jit3A_251, %sign3A_260 : i32
      %sign3A_262 = arith.extui %sign3A_261 : i1 to i32
      %sign3A_263 = arith.constant 0 : i32
      %sign3A_264 = arith.cmpi slt, %jit3A_251, %sign3A_263 : i32
      %sign3A_265 = arith.extui %sign3A_264 : i1 to i32
      %sign3A_266 = arith.subi %sign3A_262, %sign3A_265 : i32
      %ne3A_267 = arith.cmpi ne, %sign3A_259, %sign3A_266 : i32
      %rem3A_268 = arith.remsi %add3A_250, %jit3A_251 : i32
      %ne3A_269 = arith.constant 0 : i32
      %ne3A_270 = arith.cmpi ne, %rem3A_268, %ne3A_269 : i32
      %and3A_271 = arith.andi %ne3A_267, %ne3A_270 : i1
      %sub3A_272 = arith.constant 1 : i32
      %sub3A_273 = arith.subi %div3A_252, %sub3A_272 : i32
      %select_n3A_274 = arith.select %and3A_271, %sub3A_273, %div3A_252 : i32
      %jit3A_275 = arith.constant 32 : i32
      %eq3A_276 = arith.constant 0 : i32
      %eq3A_277 = arith.cmpi eq, %jit3A_275, %eq3A_276 : i32
      %jit3A_278 = arith.constant 1 : i32
      %select_n3A_279 = arith.select %eq3A_277, %jit3A_278, %jit3A_275 : i32
      %rem3A_280 = arith.remsi %add3A_250, %select_n3A_279 : i32
      %ne3A_281 = arith.constant 0 : i32
      %ne3A_282 = arith.cmpi ne, %rem3A_280, %ne3A_281 : i32
      %lt3A_283 = arith.constant 0 : i32
      %lt3A_284 = arith.cmpi slt, %rem3A_280, %lt3A_283 : i32
      %lt3A_285 = arith.constant 0 : i32
      %lt3A_286 = arith.cmpi slt, %select_n3A_279, %lt3A_285 : i32
      %ne3A_287 = arith.xori %lt3A_284, %lt3A_286 : i1
      %and3A_288 = arith.andi %ne3A_287, %ne3A_282 : i1
      %add3A_289 = arith.addi %rem3A_280, %select_n3A_279 : i32
      %select_n3A_290 = arith.select %and3A_288, %add3A_289, %rem3A_280 : i32
      %dma_start3A_291 = arith.constant 0 : i32
      %dma_start3A_292 = arith.constant 0 : i32
      %dma_start3A_293 = arith.constant 0 : i32
      %dma_start3A_294 = tpu.memref_slice %arg5[%select_n3A_274, %dma_start3A_291, %select_n3A_290, %dma_start3A_292, %dma_start3A_293] : memref<200x8x32x8x128xf32, #tpu.memory_space<hbm>> -> memref<1x8x1x8x128xf32, #tpu.memory_space<hbm>>
      %dma_start3A_295 = tpu.memref_squeeze %dma_start3A_294 : memref<1x8x1x8x128xf32, #tpu.memory_space<hbm>> -> memref<8x8x128xf32, #tpu.memory_space<hbm>>
      %dma_start3A_296 = arith.constant 0 : i32
      %dma_start3A_297 = arith.constant 0 : i32
      %dma_start3A_298 = arith.constant 0 : i32
      %dma_start3A_299 = tpu.memref_slice %arg5[%select_n3A_274, %dma_start3A_296, %select_n3A_290, %dma_start3A_297, %dma_start3A_298] : memref<200x8x32x8x128xf32, #tpu.memory_space<hbm>> -> memref<1x8x1x8x128xf32, #tpu.memory_space<hbm>>
      %dma_start3A_300 = tpu.memref_squeeze %dma_start3A_299 : memref<1x8x1x8x128xf32, #tpu.memory_space<hbm>> -> memref<8x8x128xf32, #tpu.memory_space<hbm>>
      tpu.enqueue_dma source(%arg10 : memref<8x8x128xf32, #tpu.memory_space<vmem>>) target(%dma_start3A_300 : memref<8x8x128xf32, #tpu.memory_space<hbm>>) target_semaphore(%arg17 : memref<!tpu.dma_semaphore, #tpu.memory_space<semaphore_mem>>)
      %add3A_301 = arith.constant 1 : i32
      %add3A_302 = arith.addi %add3A_179, %add3A_301 : i32
      %add3A_303 = arith.addi %mul3A_2, %add3A_302 : i32
      %jit3A_304 = arith.constant 32 : i32
      %div3A_305 = arith.divsi %add3A_303, %jit3A_304 : i32
      %sign3A_306 = arith.constant 0 : i32
      %sign3A_307 = arith.cmpi sgt, %add3A_303, %sign3A_306 : i32
      %sign3A_308 = arith.extui %sign3A_307 : i1 to i32
      %sign3A_309 = arith.constant 0 : i32
      %sign3A_310 = arith.cmpi slt, %add3A_303, %sign3A_309 : i32
      %sign3A_311 = arith.extui %sign3A_310 : i1 to i32
      %sign3A_312 = arith.subi %sign3A_308, %sign3A_311 : i32
      %sign3A_313 = arith.constant 0 : i32
      %sign3A_314 = arith.cmpi sgt, %jit3A_304, %sign3A_313 : i32
      %sign3A_315 = arith.extui %sign3A_314 : i1 to i32
      %sign3A_316 = arith.constant 0 : i32
      %sign3A_317 = arith.cmpi slt, %jit3A_304, %sign3A_316 : i32
      %sign3A_318 = arith.extui %sign3A_317 : i1 to i32
      %sign3A_319 = arith.subi %sign3A_315, %sign3A_318 : i32
      %ne3A_320 = arith.cmpi ne, %sign3A_312, %sign3A_319 : i32
      %rem3A_321 = arith.remsi %add3A_303, %jit3A_304 : i32
      %ne3A_322 = arith.constant 0 : i32
      %ne3A_323 = arith.cmpi ne, %rem3A_321, %ne3A_322 : i32
      %and3A_324 = arith.andi %ne3A_320, %ne3A_323 : i1
      %sub3A_325 = arith.constant 1 : i32
      %sub3A_326 = arith.subi %div3A_305, %sub3A_325 : i32
      %select_n3A_327 = arith.select %and3A_324, %sub3A_326, %div3A_305 : i32
      %jit3A_328 = arith.constant 32 : i32
      %eq3A_329 = arith.constant 0 : i32
      %eq3A_330 = arith.cmpi eq, %jit3A_328, %eq3A_329 : i32
      %jit3A_331 = arith.constant 1 : i32
      %select_n3A_332 = arith.select %eq3A_330, %jit3A_331, %jit3A_328 : i32
      %rem3A_333 = arith.remsi %add3A_303, %select_n3A_332 : i32
      %ne3A_334 = arith.constant 0 : i32
      %ne3A_335 = arith.cmpi ne, %rem3A_333, %ne3A_334 : i32
      %lt3A_336 = arith.constant 0 : i32
      %lt3A_337 = arith.cmpi slt, %rem3A_333, %lt3A_336 : i32
      %lt3A_338 = arith.constant 0 : i32
      %lt3A_339 = arith.cmpi slt, %select_n3A_332, %lt3A_338 : i32
      %ne3A_340 = arith.xori %lt3A_337, %lt3A_339 : i1
      %and3A_341 = arith.andi %ne3A_340, %ne3A_335 : i1
      %add3A_342 = arith.addi %rem3A_333, %select_n3A_332 : i32
      %select_n3A_343 = arith.select %and3A_341, %add3A_342, %rem3A_333 : i32
      %dma_wait3A_344 = arith.constant 0 : i32
      %dma_wait3A_345 = arith.constant 0 : i32
      %dma_wait3A_346 = tpu.memref_slice %arg3[%dma_wait3A_344, %dma_wait3A_345] : memref<1000000x64xf32, #tpu.memory_space<hbm>> -> memref<128x64xf32, #tpu.memory_space<hbm>>
      %dma_wait3A_347 = arith.constant 0 : i32
      %dma_wait3A_348 = arith.constant 0 : i32
      %dma_wait3A_349 = tpu.memref_slice %arg3[%dma_wait3A_347, %dma_wait3A_348] : memref<1000000x64xf32, #tpu.memory_space<hbm>> -> memref<128x64xf32, #tpu.memory_space<hbm>>
      tpu.wait_dma2 semaphore(%arg16 : memref<!tpu.dma_semaphore, #tpu.memory_space<semaphore_mem>>) src(%dma_wait3A_349 : memref<128x64xf32, #tpu.memory_space<hbm>>) dst(%arg9 : memref<128x64xf32, #tpu.memory_space<vmem>>)
      %add3A_350 = arith.constant 2 : i32
      %add3A_351 = arith.addi %add3A_302, %add3A_350 : i32
      %lt3A_352 = arith.constant 200 : i32
      %lt3A_353 = arith.cmpi slt, %add3A_351, %lt3A_352 : i32
      %convert_element_type3A_354 = arith.extui %lt3A_353 : i1 to i32
      %cond3A_355 = arith.constant 0 : i32
      %cond3A_356 = arith.cmpi ne, %convert_element_type3A_354, %cond3A_355 : i32
      scf.if %cond3A_356 {
        %add3A_425 = arith.constant 2 : i32
        %add3A_426 = arith.addi %add3A_302, %add3A_425 : i32
        %add3A_427 = arith.addi %mul3A_2, %add3A_426 : i32
        %jit3A_428 = arith.constant 32 : i32
        %div3A_429 = arith.divsi %add3A_427, %jit3A_428 : i32
        %sign3A_430 = arith.constant 0 : i32
        %sign3A_431 = arith.cmpi sgt, %add3A_427, %sign3A_430 : i32
        %sign3A_432 = arith.extui %sign3A_431 : i1 to i32
        %sign3A_433 = arith.constant 0 : i32
        %sign3A_434 = arith.cmpi slt, %add3A_427, %sign3A_433 : i32
        %sign3A_435 = arith.extui %sign3A_434 : i1 to i32
        %sign3A_436 = arith.subi %sign3A_432, %sign3A_435 : i32
        %sign3A_437 = arith.constant 0 : i32
        %sign3A_438 = arith.cmpi sgt, %jit3A_428, %sign3A_437 : i32
        %sign3A_439 = arith.extui %sign3A_438 : i1 to i32
        %sign3A_440 = arith.constant 0 : i32
        %sign3A_441 = arith.cmpi slt, %jit3A_428, %sign3A_440 : i32
        %sign3A_442 = arith.extui %sign3A_441 : i1 to i32
        %sign3A_443 = arith.subi %sign3A_439, %sign3A_442 : i32
        %ne3A_444 = arith.cmpi ne, %sign3A_436, %sign3A_443 : i32
        %rem3A_445 = arith.remsi %add3A_427, %jit3A_428 : i32
        %ne3A_446 = arith.constant 0 : i32
        %ne3A_447 = arith.cmpi ne, %rem3A_445, %ne3A_446 : i32
        %and3A_448 = arith.andi %ne3A_444, %ne3A_447 : i1
        %sub3A_449 = arith.constant 1 : i32
        %sub3A_450 = arith.subi %div3A_429, %sub3A_449 : i32
        %select_n3A_451 = arith.select %and3A_448, %sub3A_450, %div3A_429 : i32
        %jit3A_452 = arith.constant 32 : i32
        %eq3A_453 = arith.constant 0 : i32
        %eq3A_454 = arith.cmpi eq, %jit3A_452, %eq3A_453 : i32
        %jit3A_455 = arith.constant 1 : i32
        %select_n3A_456 = arith.select %eq3A_454, %jit3A_455, %jit3A_452 : i32
        %rem3A_457 = arith.remsi %add3A_427, %select_n3A_456 : i32
        %ne3A_458 = arith.constant 0 : i32
        %ne3A_459 = arith.cmpi ne, %rem3A_457, %ne3A_458 : i32
        %lt3A_460 = arith.constant 0 : i32
        %lt3A_461 = arith.cmpi slt, %rem3A_457, %lt3A_460 : i32
        %lt3A_462 = arith.constant 0 : i32
        %lt3A_463 = arith.cmpi slt, %select_n3A_456, %lt3A_462 : i32
        %ne3A_464 = arith.xori %lt3A_461, %lt3A_463 : i1
        %and3A_465 = arith.andi %ne3A_464, %ne3A_459 : i1
        %add3A_466 = arith.addi %rem3A_457, %select_n3A_456 : i32
        %select_n3A_467 = arith.select %and3A_465, %add3A_466, %rem3A_457 : i32
        %mul3A_468 = arith.constant 128 : i32
        %mul3A_469 = arith.muli %select_n3A_467, %mul3A_468 : i32
        %dma_start3A_470 = tpu.memref_slice %arg2[%select_n3A_451, %mul3A_469] : memref<200x4096xi32, #tpu.memory_space<hbm>> -> memref<1x128xi32, #tpu.memory_space<hbm>>
        %dma_start3A_471 = tpu.memref_squeeze %dma_start3A_470 : memref<1x128xi32, #tpu.memory_space<hbm>> -> memref<128xi32, #tpu.memory_space<hbm>>
        %dma_start3A_472 = tpu.memref_slice %arg2[%select_n3A_451, %mul3A_469] : memref<200x4096xi32, #tpu.memory_space<hbm>> -> memref<1x128xi32, #tpu.memory_space<hbm>>
        %dma_start3A_473 = tpu.memref_squeeze %dma_start3A_472 : memref<1x128xi32, #tpu.memory_space<hbm>> -> memref<128xi32, #tpu.memory_space<hbm>>
        tpu.enqueue_dma source(%dma_start3A_473 : memref<128xi32, #tpu.memory_space<hbm>>) target(%arg7 : memref<128xi32, #tpu.memory_space<vmem>>) target_semaphore(%arg14 : memref<!tpu.dma_semaphore, #tpu.memory_space<semaphore_mem>>)
      } else {
      }
      %ge3A_357 = arith.constant 2 : i32
      %ge3A_358 = arith.cmpi sge, %add3A_302, %ge3A_357 : i32
      %convert_element_type3A_359 = arith.extui %ge3A_358 : i1 to i32
      %cond3A_360 = arith.constant 0 : i32
      %cond3A_361 = arith.cmpi ne, %convert_element_type3A_359, %cond3A_360 : i32
      scf.if %cond3A_361 {
        %dma_wait3A_425 = arith.constant 0 : i32
        %dma_wait3A_426 = arith.constant 0 : i32
        %dma_wait3A_427 = arith.constant 0 : i32
        %dma_wait3A_428 = arith.constant 0 : i32
        %dma_wait3A_429 = arith.constant 0 : i32
        %dma_wait3A_430 = tpu.memref_slice %arg5[%dma_wait3A_425, %dma_wait3A_426, %dma_wait3A_427, %dma_wait3A_428, %dma_wait3A_429] : memref<200x8x32x8x128xf32, #tpu.memory_space<hbm>> -> memref<1x1x32x8x128xf32, #tpu.memory_space<hbm>>
        %dma_wait3A_431 = tpu.memref_squeeze %dma_wait3A_430 : memref<1x1x32x8x128xf32, #tpu.memory_space<hbm>> -> memref<32x8x128xf32, #tpu.memory_space<hbm>>
        %dma_wait3A_432 = arith.constant 0 : i32
        %dma_wait3A_433 = arith.constant 0 : i32
        %dma_wait3A_434 = arith.constant 0 : i32
        %dma_wait3A_435 = tpu.memref_slice %dma_wait3A_431[%dma_wait3A_432, %dma_wait3A_433, %dma_wait3A_434] : memref<32x8x128xf32, #tpu.memory_space<hbm>> -> memref<8x8x128xf32, #tpu.memory_space<hbm>>
        %dma_wait3A_436 = arith.constant 0 : i32
        %dma_wait3A_437 = arith.constant 0 : i32
        %dma_wait3A_438 = arith.constant 0 : i32
        %dma_wait3A_439 = tpu.memref_slice %arg5[%dma_wait3A_425, %dma_wait3A_426, %dma_wait3A_436, %dma_wait3A_437, %dma_wait3A_438] : memref<200x8x32x8x128xf32, #tpu.memory_space<hbm>> -> memref<1x1x32x8x128xf32, #tpu.memory_space<hbm>>
        %dma_wait3A_440 = tpu.memref_squeeze %dma_wait3A_439 : memref<1x1x32x8x128xf32, #tpu.memory_space<hbm>> -> memref<32x8x128xf32, #tpu.memory_space<hbm>>
        %dma_wait3A_441 = arith.constant 0 : i32
        %dma_wait3A_442 = arith.constant 0 : i32
        %dma_wait3A_443 = arith.constant 0 : i32
        %dma_wait3A_444 = tpu.memref_slice %dma_wait3A_440[%dma_wait3A_441, %dma_wait3A_442, %dma_wait3A_443] : memref<32x8x128xf32, #tpu.memory_space<hbm>> -> memref<8x8x128xf32, #tpu.memory_space<hbm>>
        tpu.wait_dma2 semaphore(%arg18 : memref<!tpu.dma_semaphore, #tpu.memory_space<semaphore_mem>>) src(%dma_wait3A_444 : memref<8x8x128xf32, #tpu.memory_space<hbm>>) dst(%arg11 : memref<8x8x128xf32, #tpu.memory_space<vmem>>)
      } else {
      }
      %scan3A_362 = arith.constant 0 : i32
      %scan3A_363 = arith.constant 64 : i32
      %scan3A_364 = arith.addi %scan3A_362, %scan3A_363 : i32
      %scan3A_365 = arith.constant 1 : i32
      scf.for %scan3A_425 = %scan3A_362 to %scan3A_364 step %scan3A_365  : i32 {
        %mul3A_426 = arith.constant 1 : i32
        %mul3A_427 = arith.muli %scan3A_425, %mul3A_426 : i32
        %add3A_428 = arith.constant 0 : i32
        %add3A_429 = arith.addi %add3A_428, %mul3A_427 : i32
        %add3A_430 = vector.broadcast %add3A_429 : i32 to vector<16xi32>
        %add3A_431 = arith.addi %iota3A, %add3A_430 : vector<16xi32>
        %and3A_432 = arith.constant 15 : i32
        %and3A_433 = vector.broadcast %and3A_432 : i32 to vector<16xi32>
        %and3A_434 = arith.andi %add3A_431, %and3A_433 : vector<16xi32>
        %and3A_435 = arith.constant 48 : i32
        %and3A_436 = arith.andi %add3A_429, %and3A_435 : i32
        %add3A_437 = vector.broadcast %and3A_436 : i32 to vector<16xi32>
        %add3A_438 = arith.addi %and3A_434, %add3A_437 : vector<16xi32>
        %mul3A_439 = arith.constant 64 : i32
        %mul3A_440 = arith.muli %select_n3A_327, %mul3A_439 : i32
        %add3A_441 = vector.broadcast %mul3A_440 : i32 to vector<16xi32>
        %add3A_442 = arith.addi %add3A_438, %add3A_441 : vector<16xi32>
        %gather3A = tpu.vector_load_idx %arg12[%add3A_442] : memref<12800xf32, #tpu.memory_space<vmem>>[vector<16xi32>], vector<16xf32>,
        %shift_right_logical3A = arith.constant 3 : i32
        %shift_right_logical3A_443 = vector.broadcast %shift_right_logical3A : i32 to vector<16xi32>
        %shift_right_logical3A_444 = arith.shrui %add3A_438, %shift_right_logical3A_443 : vector<16xi32>
        %and3A_445 = arith.constant 7 : i32
        %and3A_446 = vector.broadcast %and3A_445 : i32 to vector<16xi32>
        %and3A_447 = arith.andi %add3A_438, %and3A_446 : vector<16xi32>
        %gather3A_448 = tpu.vector_load_idx %arg9[%add3A_5, %add3A_438] : memref<128x64xf32, #tpu.memory_space<vmem>>[vector<16xi32>, vector<16xi32>], vector<16xf32>,
        %add3A_449 = arith.addf %gather3A_448, %gather3A : vector<16xf32>
        tpu.vector_store_idx %arg11[%shift_right_logical3A_444, %and3A_447, %add3A_5], %add3A_449 : memref<8x8x128xf32, #tpu.memory_space<vmem>>[vector<16xi32>, vector<16xi32>, vector<16xi32>], vector<16xf32>,
        %gather3A_450 = tpu.vector_load_idx %arg9[%add3A_8, %add3A_438] : memref<128x64xf32, #tpu.memory_space<vmem>>[vector<16xi32>, vector<16xi32>], vector<16xf32>,
        %add3A_451 = arith.addf %gather3A_450, %gather3A : vector<16xf32>
        tpu.vector_store_idx %arg11[%shift_right_logical3A_444, %and3A_447, %add3A_8], %add3A_451 : memref<8x8x128xf32, #tpu.memory_space<vmem>>[vector<16xi32>, vector<16xi32>, vector<16xi32>], vector<16xf32>,
        %gather3A_452 = tpu.vector_load_idx %arg9[%add3A_11, %add3A_438] : memref<128x64xf32, #tpu.memory_space<vmem>>[vector<16xi32>, vector<16xi32>], vector<16xf32>,
        %add3A_453 = arith.addf %gather3A_452, %gather3A : vector<16xf32>
        tpu.vector_store_idx %arg11[%shift_right_logical3A_444, %and3A_447, %add3A_11], %add3A_453 : memref<8x8x128xf32, #tpu.memory_space<vmem>>[vector<16xi32>, vector<16xi32>, vector<16xi32>], vector<16xf32>,
        %gather3A_454 = tpu.vector_load_idx %arg9[%add3A_14, %add3A_438] : memref<128x64xf32, #tpu.memory_space<vmem>>[vector<16xi32>, vector<16xi32>], vector<16xf32>,
        %add3A_455 = arith.addf %gather3A_454, %gather3A : vector<16xf32>
        tpu.vector_store_idx %arg11[%shift_right_logical3A_444, %and3A_447, %add3A_14], %add3A_455 : memref<8x8x128xf32, #tpu.memory_space<vmem>>[vector<16xi32>, vector<16xi32>, vector<16xi32>], vector<16xf32>,
        %gather3A_456 = tpu.vector_load_idx %arg9[%add3A_17, %add3A_438] : memref<128x64xf32, #tpu.memory_space<vmem>>[vector<16xi32>, vector<16xi32>], vector<16xf32>,
        %add3A_457 = arith.addf %gather3A_456, %gather3A : vector<16xf32>
        tpu.vector_store_idx %arg11[%shift_right_logical3A_444, %and3A_447, %add3A_17], %add3A_457 : memref<8x8x128xf32, #tpu.memory_space<vmem>>[vector<16xi32>, vector<16xi32>, vector<16xi32>], vector<16xf32>,
        %gather3A_458 = tpu.vector_load_idx %arg9[%add3A_20, %add3A_438] : memref<128x64xf32, #tpu.memory_space<vmem>>[vector<16xi32>, vector<16xi32>], vector<16xf32>,
        %add3A_459 = arith.addf %gather3A_458, %gather3A : vector<16xf32>
        tpu.vector_store_idx %arg11[%shift_right_logical3A_444, %and3A_447, %add3A_20], %add3A_459 : memref<8x8x128xf32, #tpu.memory_space<vmem>>[vector<16xi32>, vector<16xi32>, vector<16xi32>], vector<16xf32>,
        %gather3A_460 = tpu.vector_load_idx %arg9[%add3A_23, %add3A_438] : memref<128x64xf32, #tpu.memory_space<vmem>>[vector<16xi32>, vector<16xi32>], vector<16xf32>,
        %add3A_461 = arith.addf %gather3A_460, %gather3A : vector<16xf32>
        tpu.vector_store_idx %arg11[%shift_right_logical3A_444, %and3A_447, %add3A_23], %add3A_461 : memref<8x8x128xf32, #tpu.memory_space<vmem>>[vector<16xi32>, vector<16xi32>, vector<16xi32>], vector<16xf32>,
        %gather3A_462 = tpu.vector_load_idx %arg9[%add3A_26, %add3A_438] : memref<128x64xf32, #tpu.memory_space<vmem>>[vector<16xi32>, vector<16xi32>], vector<16xf32>,
        %add3A_463 = arith.addf %gather3A_462, %gather3A : vector<16xf32>
        tpu.vector_store_idx %arg11[%shift_right_logical3A_444, %and3A_447, %add3A_26], %add3A_463 : memref<8x8x128xf32, #tpu.memory_space<vmem>>[vector<16xi32>, vector<16xi32>, vector<16xi32>], vector<16xf32>,
      }
      %scan3A_366 = arith.constant 64 : i32
      %add3A_367 = arith.constant 2 : i32
      %add3A_368 = arith.addi %add3A_302, %add3A_367 : i32
      %lt3A_369 = arith.constant 200 : i32
      %lt3A_370 = arith.cmpi slt, %add3A_368, %lt3A_369 : i32
      %convert_element_type3A_371 = arith.extui %lt3A_370 : i1 to i32
      %cond3A_372 = arith.constant 0 : i32
      %cond3A_373 = arith.cmpi ne, %convert_element_type3A_371, %cond3A_372 : i32
      scf.if %cond3A_373 {
        %add3A_425 = arith.constant 2 : i32
        %add3A_426 = arith.addi %add3A_302, %add3A_425 : i32
        %dma_wait3A_427 = arith.constant 0 : i32
        %dma_wait3A_428 = arith.constant 0 : i32
        %dma_wait3A_429 = tpu.memref_slice %arg2[%dma_wait3A_427, %dma_wait3A_428] : memref<200x4096xi32, #tpu.memory_space<hbm>> -> memref<1x128xi32, #tpu.memory_space<hbm>>
        %dma_wait3A_430 = tpu.memref_squeeze %dma_wait3A_429 : memref<1x128xi32, #tpu.memory_space<hbm>> -> memref<128xi32, #tpu.memory_space<hbm>>
        %dma_wait3A_431 = arith.constant 0 : i32
        %dma_wait3A_432 = tpu.memref_slice %arg2[%dma_wait3A_427, %dma_wait3A_431] : memref<200x4096xi32, #tpu.memory_space<hbm>> -> memref<1x128xi32, #tpu.memory_space<hbm>>
        %dma_wait3A_433 = tpu.memref_squeeze %dma_wait3A_432 : memref<1x128xi32, #tpu.memory_space<hbm>> -> memref<128xi32, #tpu.memory_space<hbm>>
        tpu.wait_dma2 semaphore(%arg14 : memref<!tpu.dma_semaphore, #tpu.memory_space<semaphore_mem>>) src(%dma_wait3A_433 : memref<128xi32, #tpu.memory_space<hbm>>) dst(%arg7 : memref<128xi32, #tpu.memory_space<vmem>>)
        %dma_start3A_434 = arith.constant 0 : i32
        %dma_start3A_435 = arith.constant 0 : i32
        %dma_start3A_436 = tpu.memref_slice %arg3[%dma_start3A_434, %dma_start3A_435] : memref<1000000x64xf32, #tpu.memory_space<hbm>> -> memref<1000000x64xf32, #tpu.memory_space<hbm>>
        tpu.enqueue_indirect_dma source(%dma_start3A_436 : memref<1000000x64xf32, #tpu.memory_space<hbm>>) target(%arg9 : memref<128x64xf32, #tpu.memory_space<vmem>>) offsets(%arg7 : memref<128xi32, #tpu.memory_space<vmem>>) semaphore(%arg16 : memref<!tpu.dma_semaphore, #tpu.memory_space<semaphore_mem>>)
      } else {
      }
      %add3A_374 = arith.addi %mul3A_2, %add3A_302 : i32
      %jit3A_375 = arith.constant 32 : i32
      %div3A_376 = arith.divsi %add3A_374, %jit3A_375 : i32
      %sign3A_377 = arith.constant 0 : i32
      %sign3A_378 = arith.cmpi sgt, %add3A_374, %sign3A_377 : i32
      %sign3A_379 = arith.extui %sign3A_378 : i1 to i32
      %sign3A_380 = arith.constant 0 : i32
      %sign3A_381 = arith.cmpi slt, %add3A_374, %sign3A_380 : i32
      %sign3A_382 = arith.extui %sign3A_381 : i1 to i32
      %sign3A_383 = arith.subi %sign3A_379, %sign3A_382 : i32
      %sign3A_384 = arith.constant 0 : i32
      %sign3A_385 = arith.cmpi sgt, %jit3A_375, %sign3A_384 : i32
      %sign3A_386 = arith.extui %sign3A_385 : i1 to i32
      %sign3A_387 = arith.constant 0 : i32
      %sign3A_388 = arith.cmpi slt, %jit3A_375, %sign3A_387 : i32
      %sign3A_389 = arith.extui %sign3A_388 : i1 to i32
      %sign3A_390 = arith.subi %sign3A_386, %sign3A_389 : i32
      %ne3A_391 = arith.cmpi ne, %sign3A_383, %sign3A_390 : i32
      %rem3A_392 = arith.remsi %add3A_374, %jit3A_375 : i32
      %ne3A_393 = arith.constant 0 : i32
      %ne3A_394 = arith.cmpi ne, %rem3A_392, %ne3A_393 : i32
      %and3A_395 = arith.andi %ne3A_391, %ne3A_394 : i1
      %sub3A_396 = arith.constant 1 : i32
      %sub3A_397 = arith.subi %div3A_376, %sub3A_396 : i32
      %select_n3A_398 = arith.select %and3A_395, %sub3A_397, %div3A_376 : i32
      %jit3A_399 = arith.constant 32 : i32
      %eq3A_400 = arith.constant 0 : i32
      %eq3A_401 = arith.cmpi eq, %jit3A_399, %eq3A_400 : i32
      %jit3A_402 = arith.constant 1 : i32
      %select_n3A_403 = arith.select %eq3A_401, %jit3A_402, %jit3A_399 : i32
      %rem3A_404 = arith.remsi %add3A_374, %select_n3A_403 : i32
      %ne3A_405 = arith.constant 0 : i32
      %ne3A_406 = arith.cmpi ne, %rem3A_404, %ne3A_405 : i32
      %lt3A_407 = arith.constant 0 : i32
      %lt3A_408 = arith.cmpi slt, %rem3A_404, %lt3A_407 : i32
      %lt3A_409 = arith.constant 0 : i32
      %lt3A_410 = arith.cmpi slt, %select_n3A_403, %lt3A_409 : i32
      %ne3A_411 = arith.xori %lt3A_408, %lt3A_410 : i1
      %and3A_412 = arith.andi %ne3A_411, %ne3A_406 : i1
      %add3A_413 = arith.addi %rem3A_404, %select_n3A_403 : i32
      %select_n3A_414 = arith.select %and3A_412, %add3A_413, %rem3A_404 : i32
      %dma_start3A_415 = arith.constant 0 : i32
      %dma_start3A_416 = arith.constant 0 : i32
      %dma_start3A_417 = arith.constant 0 : i32
      %dma_start3A_418 = tpu.memref_slice %arg5[%select_n3A_398, %dma_start3A_415, %select_n3A_414, %dma_start3A_416, %dma_start3A_417] : memref<200x8x32x8x128xf32, #tpu.memory_space<hbm>> -> memref<1x8x1x8x128xf32, #tpu.memory_space<hbm>>
      %dma_start3A_419 = tpu.memref_squeeze %dma_start3A_418 : memref<1x8x1x8x128xf32, #tpu.memory_space<hbm>> -> memref<8x8x128xf32, #tpu.memory_space<hbm>>
      %dma_start3A_420 = arith.constant 0 : i32
      %dma_start3A_421 = arith.constant 0 : i32
      %dma_start3A_422 = arith.constant 0 : i32
      %dma_start3A_423 = tpu.memref_slice %arg5[%select_n3A_398, %dma_start3A_420, %select_n3A_414, %dma_start3A_421, %dma_start3A_422] : memref<200x8x32x8x128xf32, #tpu.memory_space<hbm>> -> memref<1x8x1x8x128xf32, #tpu.memory_space<hbm>>
      %dma_start3A_424 = tpu.memref_squeeze %dma_start3A_423 : memref<1x8x1x8x128xf32, #tpu.memory_space<hbm>> -> memref<8x8x128xf32, #tpu.memory_space<hbm>>
      tpu.enqueue_dma source(%arg11 : memref<8x8x128xf32, #tpu.memory_space<vmem>>) target(%dma_start3A_424 : memref<8x8x128xf32, #tpu.memory_space<hbm>>) target_semaphore(%arg18 : memref<!tpu.dma_semaphore, #tpu.memory_space<semaphore_mem>>)
    }
    %scan3A_134 = arith.constant 100 : i32
    %dma_wait3A_135 = arith.constant 0 : i32
    %dma_wait3A_136 = arith.constant 0 : i32
    %dma_wait3A_137 = arith.constant 0 : i32
    %dma_wait3A_138 = arith.constant 0 : i32
    %dma_wait3A_139 = arith.constant 0 : i32
    %dma_wait3A_140 = tpu.memref_slice %arg5[%dma_wait3A_135, %dma_wait3A_136, %dma_wait3A_137, %dma_wait3A_138, %dma_wait3A_139] : memref<200x8x32x8x128xf32, #tpu.memory_space<hbm>> -> memref<1x1x32x8x128xf32, #tpu.memory_space<hbm>>
    %dma_wait3A_141 = tpu.memref_squeeze %dma_wait3A_140 : memref<1x1x32x8x128xf32, #tpu.memory_space<hbm>> -> memref<32x8x128xf32, #tpu.memory_space<hbm>>
    %dma_wait3A_142 = arith.constant 0 : i32
    %dma_wait3A_143 = arith.constant 0 : i32
    %dma_wait3A_144 = arith.constant 0 : i32
    %dma_wait3A_145 = tpu.memref_slice %dma_wait3A_141[%dma_wait3A_142, %dma_wait3A_143, %dma_wait3A_144] : memref<32x8x128xf32, #tpu.memory_space<hbm>> -> memref<8x8x128xf32, #tpu.memory_space<hbm>>
    %dma_wait3A_146 = arith.constant 0 : i32
    %dma_wait3A_147 = arith.constant 0 : i32
    %dma_wait3A_148 = arith.constant 0 : i32
    %dma_wait3A_149 = tpu.memref_slice %arg5[%dma_wait3A_135, %dma_wait3A_136, %dma_wait3A_146, %dma_wait3A_147, %dma_wait3A_148] : memref<200x8x32x8x128xf32, #tpu.memory_space<hbm>> -> memref<1x1x32x8x128xf32, #tpu.memory_space<hbm>>
    %dma_wait3A_150 = tpu.memref_squeeze %dma_wait3A_149 : memref<1x1x32x8x128xf32, #tpu.memory_space<hbm>> -> memref<32x8x128xf32, #tpu.memory_space<hbm>>
    %dma_wait3A_151 = arith.constant 0 : i32
    %dma_wait3A_152 = arith.constant 0 : i32
    %dma_wait3A_153 = arith.constant 0 : i32
    %dma_wait3A_154 = tpu.memref_slice %dma_wait3A_150[%dma_wait3A_151, %dma_wait3A_152, %dma_wait3A_153] : memref<32x8x128xf32, #tpu.memory_space<hbm>> -> memref<8x8x128xf32, #tpu.memory_space<hbm>>
    tpu.wait_dma2 semaphore(%arg17 : memref<!tpu.dma_semaphore, #tpu.memory_space<semaphore_mem>>) src(%dma_wait3A_154 : memref<8x8x128xf32, #tpu.memory_space<hbm>>) dst(%arg10 : memref<8x8x128xf32, #tpu.memory_space<vmem>>)
    %dma_wait3A_155 = arith.constant 0 : i32
    %dma_wait3A_156 = arith.constant 0 : i32
    %dma_wait3A_157 = arith.constant 0 : i32
    %dma_wait3A_158 = arith.constant 0 : i32
    %dma_wait3A_159 = arith.constant 0 : i32
    %dma_wait3A_160 = tpu.memref_slice %arg5[%dma_wait3A_155, %dma_wait3A_156, %dma_wait3A_157, %dma_wait3A_158, %dma_wait3A_159] : memref<200x8x32x8x128xf32, #tpu.memory_space<hbm>> -> memref<1x1x32x8x128xf32, #tpu.memory_space<hbm>>
    %dma_wait3A_161 = tpu.memref_squeeze %dma_wait3A_160 : memref<1x1x32x8x128xf32, #tpu.memory_space<hbm>> -> memref<32x8x128xf32, #tpu.memory_space<hbm>>
    %dma_wait3A_162 = arith.constant 0 : i32
    %dma_wait3A_163 = arith.constant 0 : i32
    %dma_wait3A_164 = arith.constant 0 : i32
    %dma_wait3A_165 = tpu.memref_slice %dma_wait3A_161[%dma_wait3A_162, %dma_wait3A_163, %dma_wait3A_164] : memref<32x8x128xf32, #tpu.memory_space<hbm>> -> memref<8x8x128xf32, #tpu.memory_space<hbm>>
    %dma_wait3A_166 = arith.constant 0 : i32
    %dma_wait3A_167 = arith.constant 0 : i32
    %dma_wait3A_168 = arith.constant 0 : i32
    %dma_wait3A_169 = tpu.memref_slice %arg5[%dma_wait3A_155, %dma_wait3A_156, %dma_wait3A_166, %dma_wait3A_167, %dma_wait3A_168] : memref<200x8x32x8x128xf32, #tpu.memory_space<hbm>> -> memref<1x1x32x8x128xf32, #tpu.memory_space<hbm>>
    %dma_wait3A_170 = tpu.memref_squeeze %dma_wait3A_169 : memref<1x1x32x8x128xf32, #tpu.memory_space<hbm>> -> memref<32x8x128xf32, #tpu.memory_space<hbm>>
    %dma_wait3A_171 = arith.constant 0 : i32
    %dma_wait3A_172 = arith.constant 0 : i32
    %dma_wait3A_173 = arith.constant 0 : i32
    %dma_wait3A_174 = tpu.memref_slice %dma_wait3A_170[%dma_wait3A_171, %dma_wait3A_172, %dma_wait3A_173] : memref<32x8x128xf32, #tpu.memory_space<hbm>> -> memref<8x8x128xf32, #tpu.memory_space<hbm>>
    tpu.wait_dma2 semaphore(%arg18 : memref<!tpu.dma_semaphore, #tpu.memory_space<semaphore_mem>>) src(%dma_wait3A_174 : memref<8x8x128xf32, #tpu.memory_space<hbm>>) dst(%arg11 : memref<8x8x128xf32, #tpu.memory_space<vmem>>)
    return
  }
}

</mosaic_0001>

<sc_bundles>
// kernel: kernel.3.cloned.1.call-start
scs
__scs_entry_jumppad:
0x0: {  	(pc) =	sbr.rel $0x88, $3  }
0x1: {  	(tag) =	ssettag $0x0;
	lr =	simm.s32 $0x1  }
0x2: {  	[smem:$0x3F9E] =	sst lr;
	_ =	strace $0xD0000000  }
0x3: {  	_ = 	snop  }
0x4: {  	_ = 	snop  }
0x5: {  	_ = 	snop  }
0x6: {  	_ = 	snop  }
0x7: {  	_ = 	snop  }
__scs_overlays_trampoline_lowered:
0x8: {  	[smem:$0x3FAD] =	sst s0  }
0x9: {  	[smem:$0x3FAE] =	sst s1  }
0xa: {  	[smem:$0x3FAF] =	sst s2  }
0xb: {  	[smem:$0x3FB0] =	sst s3  }
0xc: {  	[smem:$0x3FB1] =	sst s4  }
0xd: {  	[smem:$0x3FB2] =	sst s5  }
0xe: {  	[smem:$0x3FB3] =	sst s6  }
0xf: {  	[smem:$0x3FB4] =	sst s7  }
0x10: {  	[smem:$0x3FB5] =	sst s8  }
0x11: {  	[smem:$0x3FB6] =	sst s9;
	s0 =	simm.s32 @!p0 $0x0  }
0x12: {  	s1 =	sld [smem:$0x3F9C];
	s0 =	simm.s32 @p0 $0x1  }
0x13: {  	[smem:$0x3FB7] =	sst s0;
	s0 =	simm.s32 @!p1 $0x0  }
0x14: {  	s2 =	sld [smem:$0x3F9B];
	s0 =	simm.s32 @p1 $0x1  }
0x15: {  	[smem:$0x3FB8] =	sst s0;
	s0 =	simm.s32 @!p2 $0x0  }
0x16: {  	s3 =	sld [smem:$0x3FDB];
	s0 =	simm.s32 @p2 $0x1  }
0x17: {  	s4 =	simm.s32 $0x1BF5;
	[smem:$0x3FBA] =	sst s0  }
0x18: {  	s0 =	sld [smem:$0x3F9D];
	_ =	swait.ge [sflag:s4], $0x0  }
0x19: {  	s7 =	sld [smem:$0x3F9E]  }
0x1a: {  	s8 =	sadd.s32 $0xFFFFE003, lr  }
0x1b: {  	s9 =	sadd.s32 $0xFFFFFEF7, lr;
	s5 =	simm.s32 $0xFFFFFFFF;
	p2 =	slt.u32 s8, $0xFFFFF086  }
0x1c: {  	p1 =	slt.u32 s9, $0xF7A;
	s5 =	simm.s32 @!p2 $0x0  }
0x1d: {  	s5 =	simm.s32 @p1 $0x1;
	p0 =	seq.s32 s7, s2  }
0x1e: {  	s7 =	smul.u32 @!p0 $0xF7A, s2;
	p2 =	seq.s32 @!p0 s5, $0x0  }
0x1f: {  	s9 =	smul.u32 $0xF7A, s1;
	s8 =	simm.s32 @!p0 $0x1BF5;
	p2 =	por !p2, p0  }
0x20: {  	[sflag:s8] =	ssyncset.s32 @!p0 $0xFFFFF086;
	s6 =	sadd.s32 @!p0 s3, s7;
	s7 =	simm.s32 @!p0 $0x108  }
0x21: {  	s3 =	sadd.s32 s3, s9;
	s6 =	sadd.s32 @!p0 $0x88, s6;
	s7 =	simm.s32 @p2 $0x1082  }
0x22: {  	[simem:s7], [sflag:s8] =	dma.local @!p0 [hbm:s6], $0xF7A  }
0x23: {  	s9 =	sor.u32 $0xD0000000, s2;
	s6 =	simm.s32 $0x108;
	_ =	swait.ge @!p0 [sflag:s8], $0x0  }
0x24: {  	s3 =	sadd.s32 $0x88, s3;
	s6 =	simm.s32 @!p1 $0x1082;
	[sflag:s4] =	ssyncset.s32 $0xFFFFF086  }
0x25: {  	[simem:s6], [sflag:s4] =	dma.local [hbm:s3], $0xF7A  }
0x26: {  	[smem:$0x3F9E] =	sst s1;
	(tag) =	ssettag s2;
	_ =	strace s9  }
0x27: {  	s1 =	sld [smem:$0x3FAE]  }
0x28: {  	s2 =	sld [smem:$0x3FAF]  }
0x29: {  	s4 =	sld [smem:$0x3FB1]  }
0x2a: {  	p0 =	seq.s32 s5, $0x0;
	s5 =	sld [smem:$0x3FB2]  }
0x2b: {  	s6 =	sld [smem:$0x3FB3]  }
0x2c: {  	s7 =	sld [smem:$0x3FB4]  }
0x2d: {  	s3 =	simm.s32 $0x108;
	s8 =	sld [smem:$0x3FB5]  }
0x2e: {  	s3 =	simm.s32 @!p0 $0x1082;
	s9 =	sld [smem:$0x3FB6]  }
0x2f: {  	lr =	sadd.s32 s0, s3;
	s0 =	sld [smem:$0x3FAD]  }
0x30: {  	s3 =	sld [smem:$0x3FB0]  }
0x31: {  	[smem:$0x3FB9] =	sst s10  }
0x32: {  	s10 =	sld [smem:$0x3FB7];
	_ =	sdelay $0x3  }
0x33: {  	p0 =	seq.s32 s10, $0x1;
	s10 =	sld [smem:$0x3FB9];
	_ =	sdelay $0x3  }
0x34: {  	[smem:$0x3FB9] =	sst s10  }
0x35: {  	s10 =	sld [smem:$0x3FB8];
	_ =	sdelay $0x3  }
0x36: {  	p1 =	seq.s32 s10, $0x1;
	s10 =	sld [smem:$0x3FB9];
	_ =	sdelay $0x3  }
0x37: {  	[smem:$0x3FB9] =	sst s10  }
0x38: {  	s10 =	sld [smem:$0x3FBA]  }
0x39: {  	_ = 	snop;
	(pc) =	sbr.ind lr, $3  }
0x3a: {  	_ = 	snop  }
0x3b: {  	_ = 	snop  }
0x3c: {  	p2 =	seq.s32 s10, $0x1;
	s10 =	sld [smem:$0x3FB9]  }
0x3d: {  	_ =	shalt  }
0x3e: {  	_ =	shalt  }
0x3f: {  	_ =	shalt  }
0x40: {  	_ =	shalt  }
0x41: {  	_ =	shalt  }
0x42: {  	_ =	shalt  }
0x43: {  	_ =	shalt  }
0x44: {  	_ =	shalt  }
0x45: {  	_ =	shalt  }
0x46: {  	_ =	shalt  }
0x47: {  	_ =	shalt  }
0x48: {  	_ =	shalt  }
0x49: {  	_ =	shalt  }
0x4a: {  	_ =	shalt  }
0x4b: {  	_ =	shalt  }
0x4c: {  	_ =	shalt  }
0x4d: {  	_ =	shalt  }
0x4e: {  	_ =	shalt  }
0x4f: {  	_ =	shalt  }
0x50: {  	_ =	shalt  }
0x51: {  	_ =	shalt  }
0x52: {  	_ =	shalt  }
0x53: {  	_ =	shalt  }
0x54: {  	_ =	shalt  }
0x55: {  	_ =	shalt  }
0x56: {  	_ =	shalt  }
0x57: {  	_ =	shalt  }
0x58: {  	_ =	shalt  }
0x59: {  	_ =	shalt  }
0x5a: {  	_ =	shalt  }
0x5b: {  	_ =	shalt  }
0x5c: {  	_ =	shalt  }
0x5d: {  	_ =	shalt  }
0x5e: {  	_ =	shalt  }
0x5f: {  	_ =	shalt  }
0x60: {  	_ =	shalt  }
0x61: {  	_ =	shalt  }
0x62: {  	_ =	shalt  }
0x63: {  	_ =	shalt  }
0x64: {  	_ =	shalt  }
0x65: {  	_ =	shalt  }
0x66: {  	_ =	shalt  }
0x67: {  	_ =	shalt  }
0x68: {  	_ =	shalt  }
0x69: {  	_ =	shalt  }
0x6a: {  	_ =	shalt  }
0x6b: {  	_ =	shalt  }
0x6c: {  	_ =	shalt  }
0x6d: {  	_ =	shalt  }
0x6e: {  	_ =	shalt  }
0x6f: {  	_ =	shalt  }
0x70: {  	_ =	shalt  }
0x71: {  	_ =	shalt  }
0x72: {  	_ =	shalt  }
0x73: {  	_ =	shalt  }
0x74: {  	_ =	shalt  }
0x75: {  	_ =	shalt  }
0x76: {  	_ =	shalt  }
0x77: {  	_ =	shalt  }
0x78: {  	_ =	shalt  }
0x79: {  	_ =	shalt  }
0x7a: {  	_ =	shalt  }
0x7b: {  	_ =	shalt  }
0x7c: {  	_ =	shalt  }
0x7d: {  	_ =	shalt  }
0x7e: {  	_ =	shalt  }
0x7f: {  	_ =	shalt  }
0x80: {  	_ =	shalt  }
0x81: {  	_ =	shalt  }
0x82: {  	_ =	shalt  }
0x83: {  	_ =	shalt  }
0x84: {  	_ =	shalt  }
0x85: {  	_ =	shalt  }
0x86: {  	_ =	shalt  }
0x87: {  	_ =	shalt  }
.Lfunc_end0:
.L_simem_size_0:
called_computation_lowered:
.L_overlay_start_0:
0x88: {  	s2 =	sld [smem:$0x3FD9]  }
0x89: {  	s3 =	sld [smem:$0x3FFE];
	_ =	sdelay $0x1  }
0x8a: {  	s1 =	srdreg.scid  }
0x8b: {  	s0 =	sand.u32 $0x1, s1  }
0x8c: {  	s17 =	sshll.u32 s0, $0xA;
	s2 =	sadd.s32 s3, s2  }
0x8d: {  	s2 =	sadd.s32 s2, s17  }
0x8e: {  	[smem:$0x3FC5] =	sst s2  }
0x8f: {  	_ = 	snop  }
0x90: {  	s2 =	sld [smem:$0x3FD0];
	(tm) =	ssettm $0x1  }
0x91: {  	s18 =	sld [smem:$0x3FFB];
	_ =	sdelay $0x3  }
0x92: {  	_ =	strace s18  }
0x93: {  	s3 =	sld [smem:$0x3FFC];
	_ =	sdelay $0x3  }
0x94: {  	_ =	strace s3  }
0x95: {  	s3 =	sld [smem:$0x3FFD];
	_ =	sdelay $0x3  }
0x96: {  	_ =	strace s3  }
0x97: {  	_ =	strace $0x8FFFFFFF  }
0x98: {  	s19 =	sld [smem:$0x3FDB];
	_ =	sdelay $0x1  }
0x99: {  	s4 =	simm.s32 $_scs_section_size  }
0x9a: {  	s5 =	simm.s32 $_size__tile_overlayer_lowered;
	s6 =	simm.s32 $_tile_overlayer_lowered  }
0x9b: {  	s22 =	simm.s32 $0x1BFF;
	s21 =	sshll.u32 s6, $0x1;
	s3 =	sadd.s32 s4, s19  }
0x9c: {  	s7 =	simm.s32 $0x0;
	s20 =	sshll.u32 s5, $0x1;
	s5 =	sadd.s32 s21, s3  }
0x9d: {  	[timem:s7], [sflag:s22] =	dma.local [hbm:s5], s20  }
0x9e: {  	_ =	swait.ge [sflag:s22], s20  }
0x9f: {  	s4 =	ssub.s32 $0x0, s20;
	[sflag:s22] =	ssyncset.done $0x0  }
0xa0: {  	[sflag:s22] =	ssyncadd.s32 s4;
	_ =	sdelay $0x1  }
0xa1: {  	s23 =	simm.s32 $0x1B8B  }
0xa2: {  	_ =	swait.ge [sflag:s23], $0x1  }
0xa3: {  	[sflag:s23] =	ssyncset.done $0x0  }
0xa4: {  	s25 =	simm.s32 $0x1B8E;
	s24 =	sld [smem:$0x3FFE];
	[sflag:s23] =	ssyncadd.s32 $0xFFFFFFFF  }
0xa5: {  	s26 =	simm.s32 $execute0_lowered;
	[smem:$0x3FD2] =	sst s25  }
0xa6: {  	s5 =	sshll.u32 s26, $0x1;
	_ =	strace $0x80000046;
	[dreg:$0x1] =	wrdreg $0xFFFFFFFF  }
0xa7: {  	s28 =	simm.s32 $_size_execute0_lowered;
	s3 =	sadd.s32 s3, s5;
	[dreg:$0x0] =	wrdreg $0x0  }
0xa8: {  	s5 =	sshll.u32 s28, $0x1;
	[dreg:$0x2] =	wrdreg s3  }
0xa9: {  	[dreg:$0x3] =	wrdreg s5  }
0xaa: {  	[dreg:$0x4] =	wrdreg $0xC0  }
0xab: {  	_ =	task [dreg:s7], $0x5FFFF  }
0xac: {  	[dreg:$0x1] =	wrdreg $0xFFFFFFFF  }
0xad: {  	[dreg:$0x0] =	wrdreg $0x60  }
0xae: {  	[dreg:$0x2] =	wrdreg s24  }
0xaf: {  	[dreg:$0x3] =	wrdreg s2  }
0xb0: {  	[dreg:$0x4] =	wrdreg $0x9  }
0xb1: {  	_ =	task.clear_ibuf [dreg:s7], $0x5FFFF;
	_ =	strace $0x90000046  }
0xb2: {  	s29 =	simm.s32 $0x9;
	_ =	strace $0x80000048  }
0xb3: {  	_ =	swait.ge [sflag:s29], $0x1  }
0xb4: {  	[sflag:s29] =	ssyncadd.s32 $0xFFFFFFFF  }
0xb5: {  	_ =	strace $0x90000048  }
0xb6: {  	_ =	sfence  }
0xb7: {  	s30 =	sld [smem:$0x0];
	_ =	sdelay $0x2  }
0xb8: {  	s31 =	sshll.u32 s1, $0xD;
	s1 =	sshrl.u32 s1, $0x2  }
0xb9: {  	s3 =	sand.u32 $0x4000, s31;
	s1 =	sadd.s32 s1, s30  }
0xba: {  	s0 =	sor.u32 s3, s0;
	s1 =	sshll.u32 s1, $0x11  }
0xbb: {  	s0 =	sor.u32 s1, s0  }
0xbc: {  	s0 =	sadd.s32 $0x8F2B, s0  }
0xbd: {  	[sflag:s0] =	ssyncadd.remote.s32 $0x1  }
0xbe: {  	_ =	sfence.sel $0xFFFF  }
0xbf: {  	[dreg:$0x0] =	wrdreg $0xFFFFFFFF;
	(pc) =	sbr.abs _section_cstart, $3  }
0xc0: {  	[dreg:$0x1] =	wrdreg $0xFFFFFFFF  }
0xc1: {  	_ =	task.clear_ibuf [dreg:s7], $0x2FFFF;
	_ =	strace $0x9FFFFFFF  }
0xc2: {  	(tm) =	ssettm $0x7FFFFFFF  }
0xc3: {  	_ =	shalt  }
tec
execute0_lowered:
.L_overlay_start_1:
0x0: {  	(tag) =	ssettag $0x1  }
0x1: {  	s0 =	srdreg.scid  }
0x2: {  	s2 =	stileid.u32;
	s1 =	rddreg [dreg:$0x0]  }
0x3: {  	s13 =	simm.s32 $0x8100;
	s14 =	simm.s32 $0x7;
	s15 =	simm.s32 $0x80  }
0x4: {  	s16 =	simm.s32 $0x1;
	s17 =	simm.s32 $0x100;
	s18 =	simm.s32 $0x2  }
0x5: {  	s19 =	simm.s32 $0x2100;
	s20 =	simm.s32 $0x3;
	s21 =	simm.s32 $0x4100  }
0x6: {  	s22 =	simm.s32 $0x400;
	s23 =	simm.s32 $0x8000;
	s24 =	simm.s32 $0x4  }
0x7: {  	s25 =	simm.s32 $0x6100;
	s26 =	simm.s32 $0x5;
	s28 =	simm.s32 $0x6  }
0x8: {  	s0 =	sand.u32 $0x1, s0;
	s3 =	sshll.u32 s2, $0x1;
	s2 =	rddreg [dreg:$0x1]  }
0x9: {  	s6 =	sor.u32 s0, s3;
	s3 =	simm.s32 $0x0;
	s0 =	ssub.s32 $0x2, s0  }
0xa: {  	s4 =	smul.u32 $0x6400, s6;
	[smem:$0x7FF] =	sst s3;
	s5 =	sshll.u32 s6, $0xA  }
0xb: {  	s30 =	sshrl.u32 s0, $0x1;
	_ =	strace $0x80000047;
	s8 =	sand.u32 $0xC00, s5  }
0xc: {  	v0 =	vlaneseq.u32;
	s5 =	sadd.s32 $0xF42C00, s1;
	s0 =	ssub.s32 s0, s30;
	s7 =	sand.u32 $0xFF000, s4  }
0xd: {  	v1 =	vmul.u32 $0x40, v0;
	v3 =	vor.u32 $0x10, v0;
	v5 =	vor.u32 $0x20, v0;
	s4 =	sadd.s32 $0x800, s1;
	s1 =	sadd.s32 $0x19800, s1;
	s7 =	sor.u32 s8, s7  }
0xe: {  	v7 =	vor.u32 $0x30, v0;
	v9 =	vor.u32 $0x40, v0;
	v11 =	vor.u32 $0x50, v0;
	s0 =	smax.u32 s0, $0x1;
	[dreg:$0x3] =	wrdreg s1;
	s7 =	sshrl.u32 s7, $0x3  }
0xf: {  	v13 =	vor.u32 $0x60, v0;
	v15 =	vor.u32 $0x70, v0;
	s6 =	smul.u32 $0xC8, s6;
	v2 =	vor.u32 $0x400, v1;
	[dreg:$0x6] =	wrdreg s0;
	s7 =	sadd.s32 s4, s7  }
0x10: {  	s29 =	simm.s32 $0x0;
	v4 =	vor.u32 $0x800, v1;
	v6 =	vor.u32 $0xC00, v1;
	v8 =	vor.u32 $0x1000, v1;
	[dreg:$0x4] =	wrdreg s7;
	s31 =	sadd.s32 $0x10, s7  }
0x11: {  	v10 =	vor.u32 $0x1400, v1;
	v12 =	vor.u32 $0x1800, v1;
	v14 =	vor.u32 $0x1C00, v1;
	s10 =	sor.u32 $0x2, s6;
	s11 =	sor.u32 $0x3, s6;
	[dreg:$0x5] =	wrdreg s31  }
.LBB2_1:
0x12: {  	s0 =	rddreg [dreg:$0x3]  }
0x13: {  	[tilespmem:s13], [sflag:$0x7] =	stream.linear.gather [hbm4b:s0+s3], $0x3200, $0x38;
	[tilespmem:$0xB300] =	vst v63  }
0x14: {  	_ =	swait.ge [sflag:s14], $0x3200  }
0x15: {  	[sflag:s14] =	ssyncset.done $0x0  }
0x16: {  	s12 =	rddreg [dreg:$0x4];
	[sflag:s14] =	ssyncadd.s32 $0xFFFFCE00  }
0x17: {  	[tilespmem:s3], [sflag:$0x1] =	stream.linear.gather [hbm4b:s12+s3], $0x80, $0x38;
	[tilespmem:$0xB300] =	vst v63  }
0x18: {  	s31 =	rddreg [dreg:$0x5]  }
0x19: {  	[tilespmem:s15], [sflag:$0x2] =	stream.linear.gather [hbm4b:s31+s3], $0x80, $0x38;
	[tilespmem:$0xB300] =	vst v63  }
0x1a: {  	_ =	swait.ge [sflag:s16], $0x80  }
0x1b: {  	[sflag:s16] =	ssyncset.done $0x0  }
0x1c: {  	[sflag:s16] =	ssyncadd.s32 $0xFFFFFF80  }
0x1d: {  	[tilespmem:s17], [sflag:$0x3] =	stream.indirect.gather [hbm4b:s5+s15], $0x40, s3, s15, $0xb8;
	[tilespmem:$0xB300] =	vst v63  }
0x1e: {  	_ =	swait.ge [sflag:s18], $0x80  }
0x1f: {  	[sflag:s18] =	ssyncset.done $0x0  }
0x20: {  	s30 =	simm.s32 $0x0;
	[sflag:s18] =	ssyncadd.s32 $0xFFFFFF80  }
0x21: {  	[tilespmem:s19], [sflag:$0x4] =	stream.indirect.gather [hbm4b:s5+s15], $0x40, s15, s15, $0xb8;
	[tilespmem:$0xB300] =	vst v63  }
.LBB2_2:
0x22: {  	p0 =	seq.s32 s30, $0x63  }
0x23: {  	p1 =	seq.s32 @!p0 s30, $0x0  }
0x24: {  	s31 =	sshll.u32 s30, $0x1;
	p1 =	por p0, !p1  }
.Ltmp0:
0x25: {  	s0 =	sadd.s32 @!p0 s31, s10;
	(pc) =	sbr.rel @!p1 .LBB2_3-.Ltmp0, $4  }
0x26: {  	_ =	swait.ge [sflag:s20], $0x2000;
	s0 =	sshll.u32 @!p0 s0, $0x4  }
0x27: {  	[sflag:s20] =	ssyncset.done $0x0;
	s0 =	sand.u32 @!p0 $0xFFFFFE0, s0  }
0x28: {  	s1 =	simm.s32 @!p0 $0x0;
	[sflag:s20] =	ssyncadd.s32 $0xFFFFE000;
	s0 =	sadd.s32 @!p0 s4, s0  }
0x29: {  	[tilespmem:s1], [sflag:$0x1] =	stream.linear.gather @!p0 [hbm4b:s0+s1], $0x80, $0x38;
	[tilespmem:$0xB300] =	vst v63  }
.Ltmp1:
0x2a: {  	(pc) =	sbr.rel .LBB2_5-.Ltmp1, $4  }
0x2b: {  	_ = 	snop  }
0x2c: {  	_ =	swait.ge [sflag:s26], $0x2000  }
0x2d: {  	[sflag:s26] =	ssyncset.done $0x0  }
0x2e: {  	p1 =	por $0x0, $0x0;
	[sflag:s26] =	ssyncadd.s32 $0xFFFFE000  }
.LBB2_3:
0x2f: {  	p1 =	por @!p0 $0x1, $0x1  }
.LBB2_5:
0x30: {  	s0 =	sadd.s32 s6, s31;
	s7 =	simm.s32 $0x0  }
0x31: {  	s1 =	sshrl.u32 s0, $0x5;
	v17 =	vadd.s32 s7, v0  }
0x32: {  	s7 =	sand.u32 $0x30, s7;
	s9 =	sshll.u32 s1, $0x6;
	v18 =	vand.u32 $0xF, v17  }
0x33: {  	v19 =	vand.u32 $0x7, v17;
	v16 =	vmov s9;
	v18 =	vor.u32 s7, v18  }
0x34: {  	v20 =	vand.u32 $0x38, v18;
	v21 =	vor.u32 v16, v19  }
0x35: {  	v21 =	vor.u32 v20, v21;
	v19 =	vor.u32 v19, v20  }
0x36: {  	v20 =	vor.u32 v1, v19;
	_ =	sdelay $0x3  }
0x37: {  	v17 =	vshll.u32 v17, $0x7;
	v18 =	vshll.u32 v18, $0x7;
	v22 =	vld.idx.msk [tilespmem:v21+s13+$0x0], $0xffff  }
0x38: {  	v17 =	vand.u32 $0x380, v17;
	v18 =	vand.u32 $0x1C00, v18;
	v20 =	vld.idx.msk [tilespmem:v20+s17+$0x0], $0xffff  }
0x39: {  	v17 =	vor.u32 v17, v18  }
0x3a: {  	v18 =	vor.u32 v0, v17  }
0x3b: {  	v21 =	vor.u32 v2, v19;
	_ =	sdelay $0x1  }
0x3c: {  	v20 =	vadd.f32 v20, v22;
	_ =	sdelay $0x1  }
0x3d: {  	[tilespmem:v18+s21+$0x0] =	vst.idx.msk $0xffff, v20  }
0x3e: {  	v18 =	vld.idx.msk [tilespmem:v21+s17+$0x0], $0xffff;
	_ =	sdelay $0x1  }
0x3f: {  	v20 =	vor.u32 v3, v17  }
0x40: {  	v21 =	vor.u32 v4, v19;
	_ =	sdelay $0x1  }
0x41: {  	v18 =	vadd.f32 v18, v22;
	_ =	sdelay $0x1  }
0x42: {  	[tilespmem:v20+s21+$0x0] =	vst.idx.msk $0xffff, v18  }
0x43: {  	v18 =	vld.idx.msk [tilespmem:v21+s17+$0x0], $0xffff;
	_ =	sdelay $0x1  }
0x44: {  	v20 =	vor.u32 v5, v17  }
0x45: {  	v21 =	vor.u32 v6, v19;
	_ =	sdelay $0x1  }
0x46: {  	v18 =	vadd.f32 v18, v22;
	_ =	sdelay $0x1  }
0x47: {  	[tilespmem:v20+s21+$0x0] =	vst.idx.msk $0xffff, v18  }
0x48: {  	v18 =	vld.idx.msk [tilespmem:v21+s17+$0x0], $0xffff;
	_ =	sdelay $0x1  }
0x49: {  	v20 =	vor.u32 v7, v17  }
0x4a: {  	v21 =	vor.u32 v8, v19;
	_ =	sdelay $0x1  }
0x4b: {  	v18 =	vadd.f32 v18, v22;
	_ =	sdelay $0x1  }
0x4c: {  	[tilespmem:v20+s21+$0x0] =	vst.idx.msk $0xffff, v18  }
0x4d: {  	v18 =	vld.idx.msk [tilespmem:v21+s17+$0x0], $0xffff;
	_ =	sdelay $0x1  }
0x4e: {  	v20 =	vor.u32 v9, v17  }
0x4f: {  	v21 =	vor.u32 v10, v19;
	_ =	sdelay $0x1  }
0x50: {  	v18 =	vadd.f32 v18, v22;
	_ =	sdelay $0x1  }
0x51: {  	[tilespmem:v20+s21+$0x0] =	vst.idx.msk $0xffff, v18  }
0x52: {  	v18 =	vld.idx.msk [tilespmem:v21+s17+$0x0], $0xffff;
	_ =	sdelay $0x1  }
0x53: {  	v20 =	vor.u32 v11, v17  }
0x54: {  	v21 =	vor.u32 v12, v19;
	_ =	sdelay $0x1  }
0x55: {  	v18 =	vadd.f32 v18, v22;
	_ =	sdelay $0x1  }
0x56: {  	[tilespmem:v20+s21+$0x0] =	vst.idx.msk $0xffff, v18  }
0x57: {  	v18 =	vld.idx.msk [tilespmem:v21+s17+$0x0], $0xffff;
	_ =	sdelay $0x1  }
0x58: {  	v20 =	vor.u32 v13, v17  }
0x59: {  	v19 =	vor.u32 v14, v19;
	_ =	sdelay $0x1  }
0x5a: {  	v18 =	vadd.f32 v18, v22  }
0x5b: {  	s12 =	simm.s32 $0x1  }
0x5c: {  	[tilespmem:v20+s21+$0x0] =	vst.idx.msk $0xffff, v18;
	v18 =	vadd.s32 s12, v0  }
0x5d: {  	s7 =	sand.u32 $0x30, s12;
	v23 =	vld.idx.msk [tilespmem:v19+s17+$0x0], $0xffff;
	v20 =	vand.u32 $0xF, v18;
	v21 =	vshll.u32 v18, $0x7  }
0x5e: {  	v19 =	vor.u32 v15, v17;
	v18 =	vand.u32 $0x7, v18;
	v17 =	vor.u32 s7, v20  }
0x5f: {  	v24 =	vand.u32 $0x380, v21;
	v20 =	vor.u32 v16, v18;
	v21 =	vand.u32 $0x38, v17  }
0x60: {  	v17 =	vshll.u32 v17, $0x7;
	v20 =	vor.u32 v21, v20;
	v18 =	vor.u32 v18, v21  }
0x61: {  	v17 =	vand.u32 $0x1C00, v17;
	v21 =	vor.u32 v1, v18  }
0x62: {  	s7 =	simm.s32 $0x2;
	v17 =	vor.u32 v24, v17;
	v22 =	vadd.f32 v23, v22  }
.LBB2_6:
0x63: {  	_ = 	snop  }
0x64: {  	p2 =	sne.s32 s7, $0x3F;
	s9 =	smov.u32 s7;
	s7 =	sadd.s32 $0x1, s7;
	[tilespmem:v19+s21+$0x0] =	vst.idx.msk $0xffff, v22  }
0x65: {  	v22 =	vld.idx.msk [tilespmem:v20+s13+$0x0], $0xffff  }
0x66: {  	v19 =	vld.idx.msk [tilespmem:v21+s17+$0x0], $0xffff;
	_ =	sdelay $0x2  }
0x67: {  	v20 =	vor.u32 v0, v17  }
0x68: {  	v21 =	vor.u32 v2, v18;
	_ =	sdelay $0x1  }
0x69: {  	v19 =	vadd.f32 v19, v22;
	_ =	sdelay $0x1  }
0x6a: {  	[tilespmem:v20+s21+$0x0] =	vst.idx.msk $0xffff, v19  }
0x6b: {  	v19 =	vld.idx.msk [tilespmem:v21+s17+$0x0], $0xffff;
	_ =	sdelay $0x2  }
0x6c: {  	v20 =	vor.u32 v3, v17  }
0x6d: {  	v21 =	vor.u32 v4, v18;
	_ =	sdelay $0x1  }
0x6e: {  	v19 =	vadd.f32 v19, v22;
	_ =	sdelay $0x1  }
0x6f: {  	[tilespmem:v20+s21+$0x0] =	vst.idx.msk $0xffff, v19  }
0x70: {  	v19 =	vld.idx.msk [tilespmem:v21+s17+$0x0], $0xffff;
	_ =	sdelay $0x2  }
0x71: {  	v20 =	vor.u32 v5, v17  }
0x72: {  	v21 =	vor.u32 v6, v18;
	_ =	sdelay $0x1  }
0x73: {  	v19 =	vadd.f32 v19, v22;
	_ =	sdelay $0x1  }
0x74: {  	[tilespmem:v20+s21+$0x0] =	vst.idx.msk $0xffff, v19  }
0x75: {  	v19 =	vld.idx.msk [tilespmem:v21+s17+$0x0], $0xffff;
	_ =	sdelay $0x2  }
0x76: {  	v20 =	vor.u32 v7, v17  }
0x77: {  	v21 =	vor.u32 v8, v18;
	_ =	sdelay $0x1  }
0x78: {  	v19 =	vadd.f32 v19, v22;
	_ =	sdelay $0x1  }
0x79: {  	[tilespmem:v20+s21+$0x0] =	vst.idx.msk $0xffff, v19  }
0x7a: {  	v19 =	vld.idx.msk [tilespmem:v21+s17+$0x0], $0xffff;
	_ =	sdelay $0x2  }
0x7b: {  	v20 =	vor.u32 v9, v17  }
0x7c: {  	v21 =	vor.u32 v10, v18;
	_ =	sdelay $0x1  }
0x7d: {  	v19 =	vadd.f32 v19, v22;
	_ =	sdelay $0x1  }
0x7e: {  	[tilespmem:v20+s21+$0x0] =	vst.idx.msk $0xffff, v19  }
0x7f: {  	v19 =	vld.idx.msk [tilespmem:v21+s17+$0x0], $0xffff;
	_ =	sdelay $0x2  }
0x80: {  	v20 =	vor.u32 v11, v17  }
0x81: {  	v21 =	vor.u32 v12, v18;
	_ =	sdelay $0x1  }
0x82: {  	v19 =	vadd.f32 v19, v22;
	_ =	sdelay $0x1  }
0x83: {  	[tilespmem:v20+s21+$0x0] =	vst.idx.msk $0xffff, v19  }
0x84: {  	v19 =	vld.idx.msk [tilespmem:v21+s17+$0x0], $0xffff;
	_ =	sdelay $0x2  }
0x85: {  	v20 =	vor.u32 v13, v17  }
0x86: {  	v18 =	vor.u32 v14, v18;
	_ =	sdelay $0x1  }
0x87: {  	v19 =	vadd.f32 v19, v22;
	_ =	sdelay $0x1  }
0x88: {  	[tilespmem:v20+s21+$0x0] =	vst.idx.msk $0xffff, v19  }
0x89: {  	v20 =	vadd.s32 s9, v0;
	v23 =	vld.idx.msk [tilespmem:v18+s17+$0x0], $0xffff  }
0x8a: {  	s9 =	sand.u32 $0x30, s9;
	v19 =	vor.u32 v15, v17;
	v18 =	vand.u32 $0xF, v20;
	v21 =	vshll.u32 v20, $0x7  }
.Ltmp2:
0x8b: {  	v17 =	vor.u32 s9, v18;
	v18 =	vand.u32 $0x7, v20;
	v24 =	vand.u32 $0x380, v21;
	(pc) =	sbr.rel @p2 .LBB2_6-.Ltmp2, $4  }
0x8c: {  	v21 =	vand.u32 $0x38, v17;
	v20 =	vor.u32 v16, v18;
	v17 =	vshll.u32 v17, $0x7  }
0x8d: {  	v20 =	vor.u32 v21, v20;
	v18 =	vor.u32 v18, v21;
	v17 =	vand.u32 $0x1C00, v17  }
0x8e: {  	v21 =	vor.u32 v1, v18;
	v17 =	vor.u32 v24, v17  }
0x8f: {  	v22 =	vadd.f32 v23, v22  }
0x90: {  	_ =	sdelay $0x3  }
0x91: {  	[tilespmem:v19+s21+$0x0] =	vst.idx.msk $0xffff, v22  }
0x92: {  	v16 =	vld.idx.msk [tilespmem:v20+s13+$0x0], $0xffff  }
0x93: {  	v19 =	vld.idx.msk [tilespmem:v21+s17+$0x0], $0xffff;
	_ =	sdelay $0x1  }
0x94: {  	v20 =	vor.u32 v0, v17  }
0x95: {  	v21 =	vor.u32 v2, v18;
	_ =	sdelay $0x1  }
0x96: {  	v19 =	vadd.f32 v19, v16;
	_ =	sdelay $0x1  }
0x97: {  	[tilespmem:v20+s21+$0x0] =	vst.idx.msk $0xffff, v19  }
0x98: {  	v19 =	vld.idx.msk [tilespmem:v21+s17+$0x0], $0xffff;
	_ =	sdelay $0x1  }
0x99: {  	v20 =	vor.u32 v3, v17  }
0x9a: {  	v21 =	vor.u32 v4, v18;
	_ =	sdelay $0x1  }
0x9b: {  	v19 =	vadd.f32 v19, v16;
	_ =	sdelay $0x1  }
0x9c: {  	[tilespmem:v20+s21+$0x0] =	vst.idx.msk $0xffff, v19  }
0x9d: {  	v19 =	vld.idx.msk [tilespmem:v21+s17+$0x0], $0xffff;
	_ =	sdelay $0x1  }
0x9e: {  	v20 =	vor.u32 v5, v17  }
0x9f: {  	v21 =	vor.u32 v6, v18;
	_ =	sdelay $0x1  }
0xa0: {  	v19 =	vadd.f32 v19, v16;
	_ =	sdelay $0x1  }
0xa1: {  	[tilespmem:v20+s21+$0x0] =	vst.idx.msk $0xffff, v19  }
0xa2: {  	v19 =	vld.idx.msk [tilespmem:v21+s17+$0x0], $0xffff;
	_ =	sdelay $0x1  }
0xa3: {  	v20 =	vor.u32 v7, v17  }
0xa4: {  	v21 =	vor.u32 v8, v18;
	_ =	sdelay $0x1  }
0xa5: {  	v19 =	vadd.f32 v19, v16;
	_ =	sdelay $0x1  }
0xa6: {  	[tilespmem:v20+s21+$0x0] =	vst.idx.msk $0xffff, v19  }
0xa7: {  	v19 =	vld.idx.msk [tilespmem:v21+s17+$0x0], $0xffff;
	_ =	sdelay $0x1  }
0xa8: {  	v20 =	vor.u32 v9, v17  }
0xa9: {  	v21 =	vor.u32 v10, v18;
	_ =	sdelay $0x1  }
0xaa: {  	v19 =	vadd.f32 v19, v16;
	_ =	sdelay $0x1  }
0xab: {  	[tilespmem:v20+s21+$0x0] =	vst.idx.msk $0xffff, v19  }
0xac: {  	v19 =	vld.idx.msk [tilespmem:v21+s17+$0x0], $0xffff;
	_ =	sdelay $0x1  }
0xad: {  	v20 =	vor.u32 v11, v17  }
0xae: {  	v21 =	vor.u32 v12, v18;
	_ =	sdelay $0x1  }
0xaf: {  	v19 =	vadd.f32 v19, v16;
	_ =	sdelay $0x1  }
0xb0: {  	[tilespmem:v20+s21+$0x0] =	vst.idx.msk $0xffff, v19  }
0xb1: {  	v19 =	vld.idx.msk [tilespmem:v21+s17+$0x0], $0xffff;
	_ =	sdelay $0x1  }
0xb2: {  	v20 =	vor.u32 v13, v17  }
0xb3: {  	v18 =	vor.u32 v14, v18;
	_ =	sdelay $0x1  }
0xb4: {  	v19 =	vadd.f32 v19, v16;
	_ =	sdelay $0x1  }
0xb5: {  	[tilespmem:v20+s21+$0x0] =	vst.idx.msk $0xffff, v19  }
0xb6: {  	v18 =	vld.idx.msk [tilespmem:v18+s17+$0x0], $0xffff;
	_ =	sdelay $0x1  }
0xb7: {  	v17 =	vor.u32 v15, v17;
	_ =	sdelay $0x2  }
0xb8: {  	v16 =	vadd.f32 v18, v16;
	_ =	sdelay $0x1  }
0xb9: {  	s7 =	simm.s32 @!p0 $0x1;
	s9 =	simm.s32 @!p0 $0x0;
	[tilespmem:v17+s21+$0x0] =	vst.idx.msk $0xffff, v16  }
0xba: {  	s12 =	simm.s32 @!p0 $0x100;
	s0 =	sshll.u32 s0, $0x7;
	_ =	swait.ge @!p0 [sflag:s7], $0x80  }
0xbb: {  	s1 =	sshll.u32 s1, $0xF;
	s0 =	sand.u32 $0xF00, s0;
	[sflag:s7] =	ssyncset.done @!p0 $0x0  }
0xbc: {  	s0 =	sadd.s32 s2, s0;
	[sflag:s7] =	ssyncadd.s32 @!p0 $0xFFFFFF80;
	s7 =	simm.s32 @!p0 $0x80  }
0xbd: {  	[tilespmem:s12], [sflag:$0x3] =	stream.indirect.gather @!p0 [hbm4b:s5+s7], $0x40, s9, s7, $0xb8;
	[tilespmem:$0xB300] =	vst v63  }
0xbe: {  	s0 =	sadd.s32 s1, s0;
	s12 =	sadd.s32 s31, s6  }
0xbf: {  	s31 =	sadd.s32 @!p0 s31, s11;
	s1 =	sadd.s32 $0x1, s12;
	s12 =	simm.s32 $0x0  }
0xc0: {  	[hbm4b:s0+s22] =	stream.strided.scatter [tilespmem:s21], [sflag:$0x5], $0x2000, s23, s22, $0x38;
	[tilespmem:$0xB300] =	vst v63  }
0xc1: {  	s31 =	sshll.u32 @!p0 s31, $0x4;
	s0 =	sshrl.u32 s1, $0x5;
	v17 =	vadd.s32 s12, v0  }
0xc2: {  	s12 =	sand.u32 $0x30, s12;
	_ =	swait.ge [sflag:s24], $0x2000;
	s8 =	sshll.u32 s0, $0x6;
	v18 =	vand.u32 $0xF, v17  }
0xc3: {  	v19 =	vand.u32 $0x7, v17;
	v16 =	vmov s8;
	[sflag:s24] =	ssyncset.done $0x0;
	s8 =	sand.u32 @!p0 $0xFFFFFF0, s31;
	v18 =	vor.u32 s12, v18  }
0xc4: {  	[sflag:s24] =	ssyncadd.s32 $0xFFFFE000;
	s8 =	sadd.s32 @!p0 s4, s8;
	v20 =	vand.u32 $0x38, v18;
	v21 =	vor.u32 v16, v19  }
0xc5: {  	[tilespmem:s7], [sflag:$0x2] =	stream.linear.gather @!p0 [hbm4b:s8+s9], $0x80, $0x38;
	v21 =	vor.u32 v20, v21;
	v19 =	vor.u32 v19, v20;
	[tilespmem:$0xB300] =	vst v63  }
0xc6: {  	s7 =	simm.s32 @!p1 $0x6;
	v20 =	vor.u32 v1, v19  }
0xc7: {  	_ =	swait.ge @!p1 [sflag:s7], $0x2000  }
0xc8: {  	[sflag:s7] =	ssyncset.done @!p1 $0x0  }
0xc9: {  	[sflag:s7] =	ssyncadd.s32 @!p1 $0xFFFFE000  }
0xca: {  	v17 =	vshll.u32 v17, $0x7;
	v18 =	vshll.u32 v18, $0x7;
	v22 =	vld.idx.msk [tilespmem:v21+s13+$0x0], $0xffff  }
0xcb: {  	v17 =	vand.u32 $0x380, v17;
	v18 =	vand.u32 $0x1C00, v18;
	v20 =	vld.idx.msk [tilespmem:v20+s19+$0x0], $0xffff  }
0xcc: {  	v17 =	vor.u32 v17, v18  }
0xcd: {  	v18 =	vor.u32 v0, v17  }
0xce: {  	v21 =	vor.u32 v2, v19;
	_ =	sdelay $0x1  }
0xcf: {  	v20 =	vadd.f32 v20, v22;
	_ =	sdelay $0x1  }
0xd0: {  	[tilespmem:v18+s25+$0x0] =	vst.idx.msk $0xffff, v20  }
0xd1: {  	v18 =	vld.idx.msk [tilespmem:v21+s19+$0x0], $0xffff;
	_ =	sdelay $0x1  }
0xd2: {  	v20 =	vor.u32 v3, v17  }
0xd3: {  	v21 =	vor.u32 v4, v19;
	_ =	sdelay $0x1  }
0xd4: {  	v18 =	vadd.f32 v18, v22;
	_ =	sdelay $0x1  }
0xd5: {  	[tilespmem:v20+s25+$0x0] =	vst.idx.msk $0xffff, v18  }
0xd6: {  	v18 =	vld.idx.msk [tilespmem:v21+s19+$0x0], $0xffff;
	_ =	sdelay $0x1  }
0xd7: {  	v20 =	vor.u32 v5, v17  }
0xd8: {  	v21 =	vor.u32 v6, v19;
	_ =	sdelay $0x1  }
0xd9: {  	v18 =	vadd.f32 v18, v22;
	_ =	sdelay $0x1  }
0xda: {  	[tilespmem:v20+s25+$0x0] =	vst.idx.msk $0xffff, v18  }
0xdb: {  	v18 =	vld.idx.msk [tilespmem:v21+s19+$0x0], $0xffff;
	_ =	sdelay $0x1  }
0xdc: {  	v20 =	vor.u32 v7, v17  }
0xdd: {  	v21 =	vor.u32 v8, v19;
	_ =	sdelay $0x1  }
0xde: {  	v18 =	vadd.f32 v18, v22;
	_ =	sdelay $0x1  }
0xdf: {  	[tilespmem:v20+s25+$0x0] =	vst.idx.msk $0xffff, v18  }
0xe0: {  	v18 =	vld.idx.msk [tilespmem:v21+s19+$0x0], $0xffff;
	_ =	sdelay $0x1  }
0xe1: {  	v20 =	vor.u32 v9, v17  }
0xe2: {  	v21 =	vor.u32 v10, v19;
	_ =	sdelay $0x1  }
0xe3: {  	v18 =	vadd.f32 v18, v22;
	_ =	sdelay $0x1  }
0xe4: {  	[tilespmem:v20+s25+$0x0] =	vst.idx.msk $0xffff, v18  }
0xe5: {  	v18 =	vld.idx.msk [tilespmem:v21+s19+$0x0], $0xffff;
	_ =	sdelay $0x1  }
0xe6: {  	v20 =	vor.u32 v11, v17  }
0xe7: {  	v21 =	vor.u32 v12, v19;
	_ =	sdelay $0x1  }
0xe8: {  	v18 =	vadd.f32 v18, v22;
	_ =	sdelay $0x1  }
0xe9: {  	[tilespmem:v20+s25+$0x0] =	vst.idx.msk $0xffff, v18  }
0xea: {  	v18 =	vld.idx.msk [tilespmem:v21+s19+$0x0], $0xffff;
	_ =	sdelay $0x1  }
0xeb: {  	v20 =	vor.u32 v13, v17  }
0xec: {  	v19 =	vor.u32 v14, v19;
	_ =	sdelay $0x1  }
0xed: {  	v18 =	vadd.f32 v18, v22  }
0xee: {  	s31 =	simm.s32 $0x1  }
0xef: {  	[tilespmem:v20+s25+$0x0] =	vst.idx.msk $0xffff, v18;
	v18 =	vadd.s32 s31, v0  }
0xf0: {  	s7 =	sand.u32 $0x30, s31;
	v23 =	vld.idx.msk [tilespmem:v19+s19+$0x0], $0xffff;
	v20 =	vand.u32 $0xF, v18;
	v21 =	vshll.u32 v18, $0x7  }
0xf1: {  	v19 =	vor.u32 v15, v17;
	v18 =	vand.u32 $0x7, v18;
	v17 =	vor.u32 s7, v20  }
0xf2: {  	v24 =	vand.u32 $0x380, v21;
	v20 =	vor.u32 v16, v18;
	v21 =	vand.u32 $0x38, v17  }
0xf3: {  	v17 =	vshll.u32 v17, $0x7;
	v20 =	vor.u32 v21, v20;
	v18 =	vor.u32 v18, v21  }
0xf4: {  	v17 =	vand.u32 $0x1C00, v17;
	v21 =	vor.u32 v1, v18  }
0xf5: {  	s7 =	simm.s32 $0x2;
	v17 =	vor.u32 v24, v17;
	v22 =	vadd.f32 v23, v22  }
.LBB2_8:
0xf6: {  	_ = 	snop  }
0xf7: {  	p1 =	sne.s32 s7, $0x3F;
	s9 =	smov.u32 s7;
	s7 =	sadd.s32 $0x1, s7;
	[tilespmem:v19+s25+$0x0] =	vst.idx.msk $0xffff, v22  }
0xf8: {  	v22 =	vld.idx.msk [tilespmem:v20+s13+$0x0], $0xffff  }
0xf9: {  	v19 =	vld.idx.msk [tilespmem:v21+s19+$0x0], $0xffff;
	_ =	sdelay $0x2  }
0xfa: {  	v20 =	vor.u32 v0, v17  }
0xfb: {  	v21 =	vor.u32 v2, v18;
	_ =	sdelay $0x1  }
0xfc: {  	v19 =	vadd.f32 v19, v22;
	_ =	sdelay $0x1  }
0xfd: {  	[tilespmem:v20+s25+$0x0] =	vst.idx.msk $0xffff, v19  }
0xfe: {  	v19 =	vld.idx.msk [tilespmem:v21+s19+$0x0], $0xffff;
	_ =	sdelay $0x2  }
0xff: {  	v20 =	vor.u32 v3, v17  }
0x100: {  	v21 =	vor.u32 v4, v18;
	_ =	sdelay $0x1  }
0x101: {  	v19 =	vadd.f32 v19, v22;
	_ =	sdelay $0x1  }
0x102: {  	[tilespmem:v20+s25+$0x0] =	vst.idx.msk $0xffff, v19  }
0x103: {  	v19 =	vld.idx.msk [tilespmem:v21+s19+$0x0], $0xffff;
	_ =	sdelay $0x2  }
0x104: {  	v20 =	vor.u32 v5, v17  }
0x105: {  	v21 =	vor.u32 v6, v18;
	_ =	sdelay $0x1  }
0x106: {  	v19 =	vadd.f32 v19, v22;
	_ =	sdelay $0x1  }
0x107: {  	[tilespmem:v20+s25+$0x0] =	vst.idx.msk $0xffff, v19  }
0x108: {  	v19 =	vld.idx.msk [tilespmem:v21+s19+$0x0], $0xffff;
	_ =	sdelay $0x2  }
0x109: {  	v20 =	vor.u32 v7, v17  }
0x10a: {  	v21 =	vor.u32 v8, v18;
	_ =	sdelay $0x1  }
0x10b: {  	v19 =	vadd.f32 v19, v22;
	_ =	sdelay $0x1  }
0x10c: {  	[tilespmem:v20+s25+$0x0] =	vst.idx.msk $0xffff, v19  }
0x10d: {  	v19 =	vld.idx.msk [tilespmem:v21+s19+$0x0], $0xffff;
	_ =	sdelay $0x2  }
0x10e: {  	v20 =	vor.u32 v9, v17  }
0x10f: {  	v21 =	vor.u32 v10, v18;
	_ =	sdelay $0x1  }
0x110: {  	v19 =	vadd.f32 v19, v22;
	_ =	sdelay $0x1  }
0x111: {  	[tilespmem:v20+s25+$0x0] =	vst.idx.msk $0xffff, v19  }
0x112: {  	v19 =	vld.idx.msk [tilespmem:v21+s19+$0x0], $0xffff;
	_ =	sdelay $0x2  }
0x113: {  	v20 =	vor.u32 v11, v17  }
0x114: {  	v21 =	vor.u32 v12, v18;
	_ =	sdelay $0x1  }
0x115: {  	v19 =	vadd.f32 v19, v22;
	_ =	sdelay $0x1  }
0x116: {  	[tilespmem:v20+s25+$0x0] =	vst.idx.msk $0xffff, v19  }
0x117: {  	v19 =	vld.idx.msk [tilespmem:v21+s19+$0x0], $0xffff;
	_ =	sdelay $0x2  }
0x118: {  	v20 =	vor.u32 v13, v17  }
0x119: {  	v18 =	vor.u32 v14, v18;
	_ =	sdelay $0x1  }
0x11a: {  	v19 =	vadd.f32 v19, v22;
	_ =	sdelay $0x1  }
0x11b: {  	[tilespmem:v20+s25+$0x0] =	vst.idx.msk $0xffff, v19  }
0x11c: {  	v20 =	vadd.s32 s9, v0;
	v23 =	vld.idx.msk [tilespmem:v18+s19+$0x0], $0xffff  }
0x11d: {  	s8 =	sand.u32 $0x30, s9;
	v19 =	vor.u32 v15, v17;
	v18 =	vand.u32 $0xF, v20;
	v21 =	vshll.u32 v20, $0x7  }
.Ltmp3:
0x11e: {  	v17 =	vor.u32 s8, v18;
	v18 =	vand.u32 $0x7, v20;
	v24 =	vand.u32 $0x380, v21;
	(pc) =	sbr.rel @p1 .LBB2_8-.Ltmp3, $4  }
0x11f: {  	v21 =	vand.u32 $0x38, v17;
	v20 =	vor.u32 v16, v18;
	v17 =	vshll.u32 v17, $0x7  }
0x120: {  	v20 =	vor.u32 v21, v20;
	v18 =	vor.u32 v18, v21;
	v17 =	vand.u32 $0x1C00, v17  }
0x121: {  	v21 =	vor.u32 v1, v18;
	v17 =	vor.u32 v24, v17  }
0x122: {  	v22 =	vadd.f32 v23, v22  }
0x123: {  	_ =	sdelay $0x3  }
0x124: {  	[tilespmem:v19+s25+$0x0] =	vst.idx.msk $0xffff, v22  }
0x125: {  	v16 =	vld.idx.msk [tilespmem:v20+s13+$0x0], $0xffff  }
0x126: {  	v19 =	vld.idx.msk [tilespmem:v21+s19+$0x0], $0xffff;
	_ =	sdelay $0x1  }
0x127: {  	v50 =	vor.u32 v0, v17  }
0x128: {  	v51 =	vor.u32 v2, v18;
	_ =	sdelay $0x1  }
0x129: {  	v19 =	vadd.f32 v19, v16;
	_ =	sdelay $0x1  }
0x12a: {  	[tilespmem:v50+s25+$0x0] =	vst.idx.msk $0xffff, v19  }
0x12b: {  	v19 =	vld.idx.msk [tilespmem:v51+s19+$0x0], $0xffff;
	_ =	sdelay $0x1  }
0x12c: {  	v52 =	vor.u32 v3, v17  }
0x12d: {  	v53 =	vor.u32 v4, v18;
	_ =	sdelay $0x1  }
0x12e: {  	v19 =	vadd.f32 v19, v16;
	_ =	sdelay $0x1  }
0x12f: {  	[tilespmem:v52+s25+$0x0] =	vst.idx.msk $0xffff, v19  }
0x130: {  	v19 =	vld.idx.msk [tilespmem:v53+s19+$0x0], $0xffff;
	_ =	sdelay $0x1  }
0x131: {  	v54 =	vor.u32 v5, v17  }
0x132: {  	v55 =	vor.u32 v6, v18;
	_ =	sdelay $0x1  }
0x133: {  	v19 =	vadd.f32 v19, v16;
	_ =	sdelay $0x1  }
0x134: {  	[tilespmem:v54+s25+$0x0] =	vst.idx.msk $0xffff, v19  }
0x135: {  	v19 =	vld.idx.msk [tilespmem:v55+s19+$0x0], $0xffff;
	_ =	sdelay $0x1  }
0x136: {  	v56 =	vor.u32 v7, v17  }
0x137: {  	v57 =	vor.u32 v8, v18;
	_ =	sdelay $0x1  }
0x138: {  	v19 =	vadd.f32 v19, v16;
	_ =	sdelay $0x1  }
0x139: {  	[tilespmem:v56+s25+$0x0] =	vst.idx.msk $0xffff, v19  }
0x13a: {  	v19 =	vld.idx.msk [tilespmem:v57+s19+$0x0], $0xffff;
	_ =	sdelay $0x1  }
0x13b: {  	v58 =	vor.u32 v9, v17  }
0x13c: {  	v59 =	vor.u32 v10, v18;
	_ =	sdelay $0x1  }
0x13d: {  	v19 =	vadd.f32 v19, v16;
	_ =	sdelay $0x1  }
0x13e: {  	[tilespmem:v58+s25+$0x0] =	vst.idx.msk $0xffff, v19  }
0x13f: {  	v19 =	vld.idx.msk [tilespmem:v59+s19+$0x0], $0xffff;
	_ =	sdelay $0x1  }
0x140: {  	v60 =	vor.u32 v11, v17  }
0x141: {  	v61 =	vor.u32 v12, v18;
	_ =	sdelay $0x1  }
0x142: {  	v19 =	vadd.f32 v19, v16;
	_ =	sdelay $0x1  }
0x143: {  	[tilespmem:v60+s25+$0x0] =	vst.idx.msk $0xffff, v19  }
0x144: {  	v19 =	vld.idx.msk [tilespmem:v61+s19+$0x0], $0xffff;
	_ =	sdelay $0x1  }
0x145: {  	v62 =	vor.u32 v13, v17  }
0x146: {  	v63 =	vor.u32 v14, v18;
	_ =	sdelay $0x1  }
0x147: {  	v19 =	vadd.f32 v19, v16;
	_ =	sdelay $0x1  }
0x148: {  	[tilespmem:v62+s25+$0x0] =	vst.idx.msk $0xffff, v19  }
0x149: {  	v18 =	vld.idx.msk [tilespmem:v63+s19+$0x0], $0xffff;
	_ =	sdelay $0x1  }
0x14a: {  	v17 =	vor.u32 v15, v17;
	_ =	sdelay $0x2  }
0x14b: {  	v16 =	vadd.f32 v18, v16;
	_ =	sdelay $0x1  }
0x14c: {  	s7 =	simm.s32 @!p0 $0x2;
	[tilespmem:v17+s25+$0x0] =	vst.idx.msk $0xffff, v16  }
0x14d: {  	_ =	swait.ge @!p0 [sflag:s7], $0x80  }
0x14e: {  	s8 =	simm.s32 @!p0 $0x2100;
	[sflag:s7] =	ssyncset.done @!p0 $0x0  }
0x14f: {  	s30 =	sadd.s32 $0x1, s30;
	[sflag:s7] =	ssyncadd.s32 @!p0 $0xFFFFFF80;
	s7 =	simm.s32 @!p0 $0x80  }
0x150: {  	[tilespmem:s8], [sflag:$0x4] =	stream.indirect.gather @!p0 [hbm4b:s5+s7], $0x40, s7, s7, $0xb8;
	[tilespmem:$0xB300] =	vst v63  }
0x151: {  	p0 =	sne.s32 s30, $0x64  }
.Ltmp4:
0x152: {  	s1 =	sshll.u32 s1, $0x7;
	(pc) =	sbr.rel @p0 .LBB2_2-.Ltmp4, $4  }
0x153: {  	s1 =	sand.u32 $0xF80, s1  }
0x154: {  	s0 =	sshll.u32 s0, $0xF;
	s1 =	sadd.s32 s2, s1  }
0x155: {  	s0 =	sadd.s32 s0, s1  }
0x156: {  	[hbm4b:s0+s22] =	stream.strided.scatter [tilespmem:s25], [sflag:$0x6], $0x2000, s23, s22, $0x38;
	[tilespmem:$0xB300] =	vst v63  }
0x157: {  	_ =	swait.ge [sflag:s26], $0x2000  }
0x158: {  	[sflag:s26] =	ssyncset.done $0x0  }
0x159: {  	[sflag:s26] =	ssyncadd.s32 $0xFFFFE000  }
0x15a: {  	_ =	swait.ge [sflag:s28], $0x2000  }
0x15b: {  	s29 =	sadd.s32 $0x1, s29;
	s0 =	rddreg [dreg:$0x6]  }
0x15c: {  	p0 =	sne.s32 s29, s0  }
.Ltmp5:
0x15d: {  	_ = 	snop;
	(pc) =	sbr.rel @p0 .LBB2_1-.Ltmp5, $3  }
0x15e: {  	_ =	sdelay $0x1  }
0x15f: {  	[sflag:s28] =	ssyncset.done $0x0  }
0x160: {  	[sflag:s28] =	ssyncadd.s32 $0xFFFFE000  }
0x161: {  	_ =	sfence.sel $0x180000  }
0x162: {  	[bflag:$0x0] =	sbarrier.arrive $0xFFFF  }
0x163: {  	_ =	strace $0x90000047  }
0x164: {  	s0 =	stileid.u32;
	[bflag:$0x2] =	sbarrier.arrive $0xFFFF  }
0x165: {  	p0 =	sne.s32 s0, $0x0;
	s0 =	rddreg [dreg:$0x2]  }
0x166: {  	s0 =	sadd.s32 @!p0 $0x100000, s0  }
0x167: {  	[sflag:s0] =	ssyncadd.tile.s32 @!p0 $0x1;
	_ =	shalt  }
.Lfunc_end2:
_tile_overlayer_lowered:
.L_overlay_start_2:
0x168: {  	(tag) =	ssettag $0x2  }
0x169: {  	s0 =	rddreg [dreg:$0x0];
	s2 =	stileid.u32  }
0x16a: {  	s1 =	rddreg [dreg:$0x1];
	p0 =	sne.s32 s2, $0x0  }
0x16b: {  	s3 =	rddreg [dreg:$0x2];
	[bflag:$0x3] =	sbarrier.arrive $0xFFFF;
	s2 =	simm.s32 @!p0 $0x1C07  }
0x16c: {  	[timem:s3], [sflag:s2] =	dma.local @!p0 [hbm:s0], s1  }
0x16d: {  	s0 =	simm.s32 @!p0 $0x7  }
0x16e: {  	_ =	swait.ge @!p0 [sflag:s0], s1  }
0x16f: {  	s1 =	ssub.s32 @!p0 $0x0, s1;
	[sflag:s0] =	ssyncset.done @!p0 $0x0  }
0x170: {  	[sflag:s0] =	ssyncadd.s32 @!p0 s1  }
0x171: {  	[bflag:$0x3] =	sbarrier.arrive $0xFFFF  }
0x172: {  	_ =	shalt  }

</sc_bundles>
